<compile_context>
chip_gen: v7x
topology: tpu7x:2x2x1
jax: 0.10.2.dev20260603
libtpu: 0.0.44.dev20260713+nightly
codegen_flags: <defaults>
</compile_context>

<pallas_src>
import functools

import jax
import jax.numpy as jnp
from jax.experimental import pallas as pl
from jax.experimental.pallas import tpu as pltpu
from jax.experimental.pallas import tpu_sc as plsc

RATIO_THRESH = 0.95
DIST_THRESH = 1.0
NEG = -3.0


def _tc_body(BN, M, NI, d0_ref, d1_ref, sim_ref, n0_ref, v1r_ref, v2r_ref,
             n1_ref, v1c_ref, v2c_ref, d1n_ref, v1s, i1s, v2s):
    i = pl.program_id(1)

    @pl.when(i == 0)
    def _():
        d1 = d1_ref[0]
        nrm = jnp.sqrt(jnp.sum(d1 * d1, axis=1, keepdims=True))
        d1n_ref[...] = d1 / jnp.maximum(nrm, 1e-12)

    d0 = d0_ref[0]
    nrm0 = jnp.sqrt(jnp.sum(d0 * d0, axis=1, keepdims=True))
    d0n = d0 / jnp.maximum(nrm0, 1e-12)
    sim = jax.lax.dot_general(
        d0n, d1n_ref[...],
        dimension_numbers=(((1,), (1,)), ((), ())),
        preferred_element_type=jnp.float32)
    sim_ref[0] = sim

    coli = jax.lax.broadcasted_iota(jnp.int32, (M, 2), 0)
    sel = jax.lax.broadcasted_iota(jnp.int32, (M, 2), 1) == 0
    colhl = jnp.where(sel, coli // 8, coli % 8).astype(jnp.bfloat16)
    v1 = jnp.max(sim, axis=1, keepdims=True)
    eq = sim == v1
    hl = jax.lax.dot_general(
        eq.astype(jnp.bfloat16), colhl,
        dimension_numbers=(((1,), (0,)), ((), ())),
        preferred_element_type=jnp.float32).astype(jnp.int32)
    i1 = hl[:, 0:1] * 8 + hl[:, 1:2]
    v2 = jnp.max(jnp.where(eq, NEG, sim), axis=1, keepdims=True)
    n0_ref[0, 0] = i1
    v1r_ref[0, 0] = v1
    v2r_ref[0, 0] = v2

    rowf = (jax.lax.broadcasted_iota(jnp.int32, (1, BN), 1) + i * BN
            ).astype(jnp.float32)
    c1 = jnp.max(sim, axis=0, keepdims=True)
    eqc = sim == c1
    eqcf = eqc.astype(jnp.float32)
    gi = jax.lax.dot_general(
        rowf, eqcf, dimension_numbers=(((1,), (0,)), ((), ())),
        preferred_element_type=jnp.float32).astype(jnp.int32)
    c2 = jnp.max(jnp.where(eqc, NEG, sim), axis=0, keepdims=True)

    @pl.when(i == 0)
    def _():
        v1s[...] = c1
        i1s[...] = gi
        v2s[...] = c2

    @pl.when(i > 0)
    def _():
        pv1, pi1, pv2 = v1s[...], i1s[...], v2s[...]
        keep = pv1 >= c1
        v2s[...] = jnp.where(keep, jnp.maximum(pv2, c1), jnp.maximum(pv1, c2))
        i1s[...] = jnp.where(keep, pi1, gi)
        v1s[...] = jnp.maximum(pv1, c1)

    @pl.when(i == NI - 1)
    def _():
        n1_ref[0] = i1s[...]
        v1c_ref[0] = v1s[...]
        v2c_ref[0] = v2s[...]


def _tc_matmul_top2(desc0, desc1, BN=256, interpret=False):
    B, N, C = desc0.shape
    M = desc1.shape[1]
    NI = N // BN
    f32, i32 = jnp.float32, jnp.int32
    out_shape = [
        jax.ShapeDtypeStruct((B, N, M), f32),
        jax.ShapeDtypeStruct((B, NI, BN, 1), i32),
        jax.ShapeDtypeStruct((B, NI, BN, 1), f32),
        jax.ShapeDtypeStruct((B, NI, BN, 1), f32),
        jax.ShapeDtypeStruct((B, 1, M), i32),
        jax.ShapeDtypeStruct((B, 1, M), f32),
        jax.ShapeDtypeStruct((B, 1, M), f32),
    ]
    grid = (B, NI)
    in_specs = [
        pl.BlockSpec((1, BN, C), lambda b, i: (b, i, 0)),
        pl.BlockSpec((1, M, C), lambda b, i: (b, 0, 0)),
    ]
    out_specs = [
        pl.BlockSpec((1, BN, M), lambda b, i: (b, i, 0)),
        pl.BlockSpec((1, 1, BN, 1), lambda b, i: (b, i, 0, 0)),
        pl.BlockSpec((1, 1, BN, 1), lambda b, i: (b, i, 0, 0)),
        pl.BlockSpec((1, 1, BN, 1), lambda b, i: (b, i, 0, 0)),
        pl.BlockSpec((1, 1, M), lambda b, i: (b, 0, 0)),
        pl.BlockSpec((1, 1, M), lambda b, i: (b, 0, 0)),
        pl.BlockSpec((1, 1, M), lambda b, i: (b, 0, 0)),
    ]
    scratch_shapes = [
        pltpu.VMEM((M, C), f32),
        pltpu.VMEM((1, M), f32),
        pltpu.VMEM((1, M), i32),
        pltpu.VMEM((1, M), f32),
    ]
    sim, n0, v1r, v2r, n1, v1c, v2c = pl.pallas_call(
        functools.partial(_tc_body, BN, M, NI),
        grid=grid,
        in_specs=in_specs,
        out_specs=out_specs,
        out_shape=out_shape,
        scratch_shapes=scratch_shapes,
        interpret=interpret,
    )(desc0, desc1)
    return (sim,
            n0.reshape(B, N), v1r.reshape(B, N), v2r.reshape(B, N),
            n1.reshape(B, M), v1c.reshape(B, M), v2c.reshape(B, M))


def _sc_direction(base, CH, K, other_n, other_kpts_flat, idx_chunk,
                  v1_chunk, v2_chunk, m_out, s_out, mk_out_flat):
    rt2 = jnp.float32(RATIO_THRESH * RATIO_THRESH)
    dt2 = jnp.float32(DIST_THRESH * DIST_THRESH)
    lanes = jax.lax.iota(jnp.int32, 16)

    def step(j, _):
        off = j * 16
        idx = idx_chunk[pl.ds(off, 16)]
        back = plsc.load_gather(other_n, [idx])
        mutual = back == (base + off + lanes)
        v1 = v1_chunk[pl.ds(off, 16)]
        v2 = v2_chunk[pl.ds(off, 16)]
        d1 = 2.0 * (1.0 - v1)
        d2 = 2.0 * (1.0 - v2)
        valid = mutual & (d1 <= rt2 * d2) & (d1 <= dt2)
        m_out[pl.ds(off, 16)] = jnp.where(valid, idx, -1)
        s_out[pl.ds(off, 16)] = jnp.where(valid, (v1 + 1.0) * 0.5, 0.0)
        safe3 = jnp.clip(idx, 0, K - 1) * 3
        vf = valid.astype(jnp.float32)
        row3 = (off + lanes) * 3
        for c in range(3):
            comp = plsc.load_gather(other_kpts_flat, [safe3 + c]) * vf
            plsc.store_scatter(mk_out_flat, [row3 + c], comp)
        return 0

    jax.lax.fori_loop(0, CH // 16, step, 0, unroll=4)


def _sc_postprocess(near0, near1, v1r, v2r, v1c, v2c, kpts0, kpts1):
    B, N = near0.shape
    M = near1.shape[1]
    f32, i32 = jnp.float32, jnp.int32
    info = plsc.get_sparse_core_info()
    NW = info.num_cores * info.num_subcores
    CH0 = (B * N) // NW
    CH1 = (B * M) // NW
    W0 = N // CH0
    W1 = M // CH1
    mesh = plsc.VectorSubcoreMesh(core_axis_name="c", subcore_axis_name="s")

    @functools.partial(
        pl.kernel, mesh=mesh,
        compiler_params=pltpu.CompilerParams(needs_layout_passes=False),
        out_type=[
            jax.ShapeDtypeStruct((B, N), i32),
            jax.ShapeDtypeStruct((B, M), i32),
            jax.ShapeDtypeStruct((B, N), f32),
            jax.ShapeDtypeStruct((B, M), f32),
            jax.ShapeDtypeStruct((B, M * 3), f32),
            jax.ShapeDtypeStruct((B, N * 3), f32),
        ],
        scratch_types=[
            pltpu.VMEM((M,), i32),
            pltpu.VMEM((M * 3,), f32),
            pltpu.VMEM((N,), i32),
            pltpu.VMEM((N * 3,), f32),
            pltpu.VMEM((CH0,), i32),
            pltpu.VMEM((CH0,), f32),
            pltpu.VMEM((CH0,), f32),
            pltpu.VMEM((CH0,), i32),
            pltpu.VMEM((CH0,), f32),
            pltpu.VMEM((CH0 * 3,), f32),
            pltpu.VMEM((CH1,), i32),
            pltpu.VMEM((CH1,), f32),
            pltpu.VMEM((CH1,), f32),
            pltpu.VMEM((CH1,), i32),
            pltpu.VMEM((CH1,), f32),
            pltpu.VMEM((CH1 * 3,), f32),
            pltpu.SemaphoreType.DMA,
            pltpu.SemaphoreType.DMA,
        ],
    )
    def post(n0_hbm, n1_hbm, v1r_hbm, v2r_hbm, v1c_hbm, v2c_hbm,
             k0_hbm, k1_hbm,
             m0_hbm, m1_hbm, s0_hbm, s1_hbm, mk0_hbm, mk1_hbm,
             n1_v, k1_v, n0_v, k0_v,
             i0_v, a0_v, b0_v, mm0_v, ss0_v, kk0_v,
             i1_v, a1_v, b1_v, mm1_v, ss1_v, kk1_v,
             sem_in, sem_out):
        wid = jax.lax.axis_index("s") * info.num_cores + jax.lax.axis_index("c")

        b = wid // W0
        base = (wid % W0) * CH0
        b1 = wid // W1
        base1 = (wid % W1) * CH1

        ins = [
            pltpu.async_copy(n1_hbm.at[b], n1_v, sem_in),
            pltpu.async_copy(k1_hbm.at[b], k1_v, sem_in),
            pltpu.async_copy(n0_hbm.at[b, pl.ds(base, CH0)], i0_v, sem_in),
            pltpu.async_copy(v1r_hbm.at[b, pl.ds(base, CH0)], a0_v, sem_in),
            pltpu.async_copy(v2r_hbm.at[b, pl.ds(base, CH0)], b0_v, sem_in),
            pltpu.async_copy(n0_hbm.at[b1], n0_v, sem_in),
            pltpu.async_copy(k0_hbm.at[b1], k0_v, sem_in),
            pltpu.async_copy(n1_hbm.at[b1, pl.ds(base1, CH1)], i1_v, sem_in),
            pltpu.async_copy(v1c_hbm.at[b1, pl.ds(base1, CH1)], a1_v, sem_in),
            pltpu.async_copy(v2c_hbm.at[b1, pl.ds(base1, CH1)], b1_v, sem_in),
        ]
        for c in ins:
            c.wait()

        _sc_direction(base, CH0, M, n1_v, k1_v, i0_v, a0_v, b0_v,
                      mm0_v, ss0_v, kk0_v)
        outs = [
            pltpu.async_copy(mm0_v, m0_hbm.at[b, pl.ds(base, CH0)], sem_out),
            pltpu.async_copy(ss0_v, s0_hbm.at[b, pl.ds(base, CH0)], sem_out),
            pltpu.async_copy(
                kk0_v, mk1_hbm.at[b, pl.ds(base * 3, CH0 * 3)], sem_out),
        ]

        _sc_direction(base1, CH1, N, n0_v, k0_v, i1_v, a1_v, b1_v,
                      mm1_v, ss1_v, kk1_v)
        outs += [
            pltpu.async_copy(mm1_v, m1_hbm.at[b1, pl.ds(base1, CH1)], sem_out),
            pltpu.async_copy(ss1_v, s1_hbm.at[b1, pl.ds(base1, CH1)], sem_out),
            pltpu.async_copy(
                kk1_v, mk0_hbm.at[b1, pl.ds(base1 * 3, CH1 * 3)], sem_out),
        ]
        for c in outs:
            c.wait()

    m0, m1, s0, s1, mk0f, mk1f = post(
        near0, near1, v1r, v2r, v1c, v2c,
        kpts0.reshape(B, N * 3), kpts1.reshape(B, M * 3))
    return m0, m1, s0, s1, mk0f.reshape(B, M, 3), mk1f.reshape(B, N, 3)


def kernel(desc0, desc1, kpts0, kpts1):
    sim, n0, v1r, v2r, n1, v1c, v2c = _tc_matmul_top2(desc0, desc1)
    m0, m1, s0, s1, mk0, mk1 = _sc_postprocess(
        n0, n1, v1r, v2r, v1c, v2c, kpts0, kpts1)
    return (m0, m1, s0, s1, mk0, mk1, sim)

# --- scband reference (transcript-rebuilt; emitter-appended) ---
"""Pipeline reference for scband-matcher-11166914970527 (READ-ONLY COPY).

The authoritative reference and input builder live on the scoring server;
editing this copy changes nothing except your own understanding.
"""

import jax, jax.numpy as jnp
import numpy as np

RATIO_THRESH = 0.95
DIST_THRESH = 1.0


def _l2norm(x, axis=-1, eps=1e-12):
    return x / jnp.maximum(jnp.linalg.norm(x, axis=axis, keepdims=True), eps)


def setup_inputs(seed: int = 0) -> dict:
    key = jax.random.key(seed)
    k0, k1, k2, k3 = jax.random.split(key, 4)
    B, N, M, C = 8, 2048, 2048, 128
    desc0 = jax.random.normal(k0, (B, N, C), dtype=jnp.float32)
    desc1 = jax.random.normal(k1, (B, M, C), dtype=jnp.float32)
    kpts0 = jax.random.uniform(k2, (B, N, 3), dtype=jnp.float32)
    kpts1 = jax.random.uniform(k3, (B, M, 3), dtype=jnp.float32)
    return {"desc0": desc0, "desc1": desc1, "kpts0": kpts0, "kpts1": kpts1}


def reference(desc0, desc1, kpts0, kpts1):
    # Matcher with type='MNN', freeze=True: mutual nearest neighbor matching
    # with ratio and distance thresholds (NearestNeighborMatcher semantics).
    B, N, C = desc0.shape
    M = desc1.shape[1]
    d0 = _l2norm(desc0)
    d1 = _l2norm(desc1)
    sim = jnp.einsum('bnd,bmd->bnm', d0, d1)  # (B, N, M)

    # top-2 nearest neighbors in each direction
    vals01, idx01 = jax.lax.top_k(sim, 2)                       # (B, N, 2)
    vals10, idx10 = jax.lax.top_k(jnp.swapaxes(sim, 1, 2), 2)   # (B, M, 2)
    nearest0 = idx01[..., 0]  # (B, N) index into M
    nearest1 = idx10[..., 0]  # (B, M) index into N

    # squared euclidean distances for unit vectors: d^2 = 2*(1 - sim)
    dist01 = 2.0 * (1.0 - vals01)
    dist10 = 2.0 * (1.0 - vals10)

    # mutual check
    back0 = jnp.take_along_axis(nearest1, nearest0, axis=1)  # (B, N)
    mutual0 = back0 == jnp.arange(N)[None, :]
    back1 = jnp.take_along_axis(nearest0, nearest1, axis=1)  # (B, M)
    mutual1 = back1 == jnp.arange(M)[None, :]

    # ratio + distance tests
    ratio0 = dist01[..., 0] <= (RATIO_THRESH ** 2) * dist01[..., 1]
    ratio1 = dist10[..., 0] <= (RATIO_THRESH ** 2) * dist10[..., 1]
    dmask0 = dist01[..., 0] <= DIST_THRESH ** 2
    dmask1 = dist10[..., 0] <= DIST_THRESH ** 2

    valid0 = mutual0 & ratio0 & dmask0
    valid1 = mutual1 & ratio1 & dmask1

    matches0 = jnp.where(valid0, nearest0, -1)
    matches1 = jnp.where(valid1, nearest1, -1)
    scores0 = jnp.where(valid0, (vals01[..., 0] + 1.0) * 0.5, 0.0)
    scores1 = jnp.where(valid1, (vals10[..., 0] + 1.0) * 0.5, 0.0)

    safe0 = jnp.clip(matches0, 0, M - 1)
    safe1 = jnp.clip(matches1, 0, N - 1)
    matched_kpts1 = jnp.take_along_axis(kpts1, safe0[..., None], axis=1) * valid0[..., None].astype(kpts1.dtype)
    matched_kpts0 = jnp.take_along_axis(kpts0, safe1[..., None], axis=1) * valid1[..., None].astype(kpts0.dtype)

    return (matches0, matches1, scores0, scores1, matched_kpts0, matched_kpts1, sim)

if __name__ == "__main__":
    import jax
    _d = setup_inputs()
    print(jax.jit(kernel)(*tuple(_d.values())))

</pallas_src>

<mosaic_0001>
#map = affine_map<(d0, d1) -> (0, 0)>
module attributes {stable_mosaic.version = 14 : i64} {
  func.func @post(%arg0: i32, %arg1: i32, %arg2: memref<8x2048xi32, #tpu.memory_space<hbm>>, %arg3: memref<8x2048xi32, #tpu.memory_space<hbm>>, %arg4: memref<8x2048xf32, #tpu.memory_space<hbm>>, %arg5: memref<8x2048xf32, #tpu.memory_space<hbm>>, %arg6: memref<8x2048xf32, #tpu.memory_space<hbm>>, %arg7: memref<8x2048xf32, #tpu.memory_space<hbm>>, %arg8: memref<8x6144xf32, #tpu.memory_space<hbm>>, %arg9: memref<8x6144xf32, #tpu.memory_space<hbm>>, %arg10: memref<8x2048xi32, #tpu.memory_space<hbm>>, %arg11: memref<8x2048xi32, #tpu.memory_space<hbm>>, %arg12: memref<8x2048xf32, #tpu.memory_space<hbm>>, %arg13: memref<8x2048xf32, #tpu.memory_space<hbm>>, %arg14: memref<8x6144xf32, #tpu.memory_space<hbm>>, %arg15: memref<8x6144xf32, #tpu.memory_space<hbm>>, %arg16: memref<2048xi32, #tpu.memory_space<vmem>>, %arg17: memref<6144xf32, #tpu.memory_space<vmem>>, %arg18: memref<2048xi32, #tpu.memory_space<vmem>>, %arg19: memref<6144xf32, #tpu.memory_space<vmem>>, %arg20: memref<512xi32, #tpu.memory_space<vmem>>, %arg21: memref<512xf32, #tpu.memory_space<vmem>>, %arg22: memref<512xf32, #tpu.memory_space<vmem>>, %arg23: memref<512xi32, #tpu.memory_space<vmem>>, %arg24: memref<512xf32, #tpu.memory_space<vmem>>, %arg25: memref<1536xf32, #tpu.memory_space<vmem>>, %arg26: memref<512xi32, #tpu.memory_space<vmem>>, %arg27: memref<512xf32, #tpu.memory_space<vmem>>, %arg28: memref<512xf32, #tpu.memory_space<vmem>>, %arg29: memref<512xi32, #tpu.memory_space<vmem>>, %arg30: memref<512xf32, #tpu.memory_space<vmem>>, %arg31: memref<1536xf32, #tpu.memory_space<vmem>>, %arg32: memref<!tpu.dma_semaphore, #tpu.memory_space<semaphore_mem>>, %arg33: memref<!tpu.dma_semaphore, #tpu.memory_space<semaphore_mem>>) attributes {dimension_semantics = [#tpu.dimension_semantics<core_parallel>, #tpu.dimension_semantics<subcore_parallel>], iteration_bounds = array<i64: 2, 16>, scalar_prefetch = 0 : i64, scratch_operands = 18 : i64, tpu.core_type = #tpu.core_type<sc_vector_subcore>, window_params = [{transform_indices = #map}, {transform_indices = #map}, {transform_indices = #map}, {transform_indices = #map}, {transform_indices = #map}, {transform_indices = #map}, {transform_indices = #map}, {transform_indices = #map}, {transform_indices = #map}, {transform_indices = #map}, {transform_indices = #map}, {transform_indices = #map}, {transform_indices = #map}, {transform_indices = #map}]} {
    %mul3A = arith.constant 2 : i32
    %mul3A_0 = arith.muli %arg1, %mul3A : i32
    %add3A = arith.addi %mul3A_0, %arg0 : i32
    %jit3A = arith.constant 4 : i32
    %div3A = arith.divsi %add3A, %jit3A : i32
    %sign3A = arith.constant 0 : i32
    %sign3A_1 = arith.cmpi sgt, %add3A, %sign3A : i32
    %sign3A_2 = arith.extui %sign3A_1 : i1 to i32
    %sign3A_3 = arith.constant 0 : i32
    %sign3A_4 = arith.cmpi slt, %add3A, %sign3A_3 : i32
    %sign3A_5 = arith.extui %sign3A_4 : i1 to i32
    %sign3A_6 = arith.subi %sign3A_2, %sign3A_5 : i32
    %sign3A_7 = arith.constant 0 : i32
    %sign3A_8 = arith.cmpi sgt, %jit3A, %sign3A_7 : i32
    %sign3A_9 = arith.extui %sign3A_8 : i1 to i32
    %sign3A_10 = arith.constant 0 : i32
    %sign3A_11 = arith.cmpi slt, %jit3A, %sign3A_10 : i32
    %sign3A_12 = arith.extui %sign3A_11 : i1 to i32
    %sign3A_13 = arith.subi %sign3A_9, %sign3A_12 : i32
    %ne3A = arith.cmpi ne, %sign3A_6, %sign3A_13 : i32
    %rem3A = arith.remsi %add3A, %jit3A : i32
    %ne3A_14 = arith.constant 0 : i32
    %ne3A_15 = arith.cmpi ne, %rem3A, %ne3A_14 : i32
    %and3A = arith.andi %ne3A, %ne3A_15 : i1
    %sub3A = arith.constant 1 : i32
    %sub3A_16 = arith.subi %div3A, %sub3A : i32
    %select_n3A = arith.select %and3A, %sub3A_16, %div3A : i32
    %jit3A_17 = arith.constant 4 : i32
    %eq3A = arith.constant 0 : i32
    %eq3A_18 = arith.cmpi eq, %jit3A_17, %eq3A : i32
    %jit3A_19 = arith.constant 1 : i32
    %select_n3A_20 = arith.select %eq3A_18, %jit3A_19, %jit3A_17 : i32
    %rem3A_21 = arith.remsi %add3A, %select_n3A_20 : i32
    %ne3A_22 = arith.constant 0 : i32
    %ne3A_23 = arith.cmpi ne, %rem3A_21, %ne3A_22 : i32
    %lt3A = arith.constant 0 : i32
    %lt3A_24 = arith.cmpi slt, %rem3A_21, %lt3A : i32
    %lt3A_25 = arith.constant 0 : i32
    %lt3A_26 = arith.cmpi slt, %select_n3A_20, %lt3A_25 : i32
    %ne3A_27 = arith.xori %lt3A_24, %lt3A_26 : i1
    %and3A_28 = arith.andi %ne3A_27, %ne3A_23 : i1
    %add3A_29 = arith.addi %rem3A_21, %select_n3A_20 : i32
    %select_n3A_30 = arith.select %and3A_28, %add3A_29, %rem3A_21 : i32
    %mul3A_31 = arith.constant 512 : i32
    %mul3A_32 = arith.muli %select_n3A_30, %mul3A_31 : i32
    %jit3A_33 = arith.constant 4 : i32
    %div3A_34 = arith.divsi %add3A, %jit3A_33 : i32
    %sign3A_35 = arith.constant 0 : i32
    %sign3A_36 = arith.cmpi sgt, %add3A, %sign3A_35 : i32
    %sign3A_37 = arith.extui %sign3A_36 : i1 to i32
    %sign3A_38 = arith.constant 0 : i32
    %sign3A_39 = arith.cmpi slt, %add3A, %sign3A_38 : i32
    %sign3A_40 = arith.extui %sign3A_39 : i1 to i32
    %sign3A_41 = arith.subi %sign3A_37, %sign3A_40 : i32
    %sign3A_42 = arith.constant 0 : i32
    %sign3A_43 = arith.cmpi sgt, %jit3A_33, %sign3A_42 : i32
    %sign3A_44 = arith.extui %sign3A_43 : i1 to i32
    %sign3A_45 = arith.constant 0 : i32
    %sign3A_46 = arith.cmpi slt, %jit3A_33, %sign3A_45 : i32
    %sign3A_47 = arith.extui %sign3A_46 : i1 to i32
    %sign3A_48 = arith.subi %sign3A_44, %sign3A_47 : i32
    %ne3A_49 = arith.cmpi ne, %sign3A_41, %sign3A_48 : i32
    %rem3A_50 = arith.remsi %add3A, %jit3A_33 : i32
    %ne3A_51 = arith.constant 0 : i32
    %ne3A_52 = arith.cmpi ne, %rem3A_50, %ne3A_51 : i32
    %and3A_53 = arith.andi %ne3A_49, %ne3A_52 : i1
    %sub3A_54 = arith.constant 1 : i32
    %sub3A_55 = arith.subi %div3A_34, %sub3A_54 : i32
    %select_n3A_56 = arith.select %and3A_53, %sub3A_55, %div3A_34 : i32
    %jit3A_57 = arith.constant 4 : i32
    %eq3A_58 = arith.constant 0 : i32
    %eq3A_59 = arith.cmpi eq, %jit3A_57, %eq3A_58 : i32
    %jit3A_60 = arith.constant 1 : i32
    %select_n3A_61 = arith.select %eq3A_59, %jit3A_60, %jit3A_57 : i32
    %rem3A_62 = arith.remsi %add3A, %select_n3A_61 : i32
    %ne3A_63 = arith.constant 0 : i32
    %ne3A_64 = arith.cmpi ne, %rem3A_62, %ne3A_63 : i32
    %lt3A_65 = arith.constant 0 : i32
    %lt3A_66 = arith.cmpi slt, %rem3A_62, %lt3A_65 : i32
    %lt3A_67 = arith.constant 0 : i32
    %lt3A_68 = arith.cmpi slt, %select_n3A_61, %lt3A_67 : i32
    %ne3A_69 = arith.xori %lt3A_66, %lt3A_68 : i1
    %and3A_70 = arith.andi %ne3A_69, %ne3A_64 : i1
    %add3A_71 = arith.addi %rem3A_62, %select_n3A_61 : i32
    %select_n3A_72 = arith.select %and3A_70, %add3A_71, %rem3A_62 : i32
    %mul3A_73 = arith.constant 512 : i32
    %mul3A_74 = arith.muli %select_n3A_72, %mul3A_73 : i32
    %dma_start3A = arith.constant 0 : i32
    %dma_start3A_75 = tpu.memref_slice %arg3[%select_n3A, %dma_start3A] : memref<8x2048xi32, #tpu.memory_space<hbm>> -> memref<1x2048xi32, #tpu.memory_space<hbm>>
    %dma_start3A_76 = tpu.memref_squeeze %dma_start3A_75 : memref<1x2048xi32, #tpu.memory_space<hbm>> -> memref<2048xi32, #tpu.memory_space<hbm>>
    %dma_start3A_77 = arith.constant 0 : i32
    %dma_start3A_78 = tpu.memref_slice %arg3[%select_n3A, %dma_start3A_77] : memref<8x2048xi32, #tpu.memory_space<hbm>> -> memref<1x2048xi32, #tpu.memory_space<hbm>>
    %dma_start3A_79 = tpu.memref_squeeze %dma_start3A_78 : memref<1x2048xi32, #tpu.memory_space<hbm>> -> memref<2048xi32, #tpu.memory_space<hbm>>
    tpu.enqueue_dma source(%dma_start3A_79 : memref<2048xi32, #tpu.memory_space<hbm>>) target(%arg16 : memref<2048xi32, #tpu.memory_space<vmem>>) target_semaphore(%arg32 : memref<!tpu.dma_semaphore, #tpu.memory_space<semaphore_mem>>)
    %dma_start3A_80 = arith.constant 0 : i32
    %dma_start3A_81 = tpu.memref_slice %arg9[%select_n3A, %dma_start3A_80] : memref<8x6144xf32, #tpu.memory_space<hbm>> -> memref<1x6144xf32, #tpu.memory_space<hbm>>
    %dma_start3A_82 = tpu.memref_squeeze %dma_start3A_81 : memref<1x6144xf32, #tpu.memory_space<hbm>> -> memref<6144xf32, #tpu.memory_space<hbm>>
    %dma_start3A_83 = arith.constant 0 : i32
    %dma_start3A_84 = tpu.memref_slice %arg9[%select_n3A, %dma_start3A_83] : memref<8x6144xf32, #tpu.memory_space<hbm>> -> memref<1x6144xf32, #tpu.memory_space<hbm>>
    %dma_start3A_85 = tpu.memref_squeeze %dma_start3A_84 : memref<1x6144xf32, #tpu.memory_space<hbm>> -> memref<6144xf32, #tpu.memory_space<hbm>>
    tpu.enqueue_dma source(%dma_start3A_85 : memref<6144xf32, #tpu.memory_space<hbm>>) target(%arg17 : memref<6144xf32, #tpu.memory_space<vmem>>) target_semaphore(%arg32 : memref<!tpu.dma_semaphore, #tpu.memory_space<semaphore_mem>>)
    %dma_start3A_86 = tpu.memref_slice %arg2[%select_n3A, %mul3A_32] : memref<8x2048xi32, #tpu.memory_space<hbm>> -> memref<1x512xi32, #tpu.memory_space<hbm>>
    %dma_start3A_87 = tpu.memref_squeeze %dma_start3A_86 : memref<1x512xi32, #tpu.memory_space<hbm>> -> memref<512xi32, #tpu.memory_space<hbm>>
    %dma_start3A_88 = tpu.memref_slice %arg2[%select_n3A, %mul3A_32] : memref<8x2048xi32, #tpu.memory_space<hbm>> -> memref<1x512xi32, #tpu.memory_space<hbm>>
    %dma_start3A_89 = tpu.memref_squeeze %dma_start3A_88 : memref<1x512xi32, #tpu.memory_space<hbm>> -> memref<512xi32, #tpu.memory_space<hbm>>
    tpu.enqueue_dma source(%dma_start3A_89 : memref<512xi32, #tpu.memory_space<hbm>>) target(%arg20 : memref<512xi32, #tpu.memory_space<vmem>>) target_semaphore(%arg32 : memref<!tpu.dma_semaphore, #tpu.memory_space<semaphore_mem>>)
    %dma_start3A_90 = tpu.memref_slice %arg4[%select_n3A, %mul3A_32] : memref<8x2048xf32, #tpu.memory_space<hbm>> -> memref<1x512xf32, #tpu.memory_space<hbm>>
    %dma_start3A_91 = tpu.memref_squeeze %dma_start3A_90 : memref<1x512xf32, #tpu.memory_space<hbm>> -> memref<512xf32, #tpu.memory_space<hbm>>
    %dma_start3A_92 = tpu.memref_slice %arg4[%select_n3A, %mul3A_32] : memref<8x2048xf32, #tpu.memory_space<hbm>> -> memref<1x512xf32, #tpu.memory_space<hbm>>
    %dma_start3A_93 = tpu.memref_squeeze %dma_start3A_92 : memref<1x512xf32, #tpu.memory_space<hbm>> -> memref<512xf32, #tpu.memory_space<hbm>>
    tpu.enqueue_dma source(%dma_start3A_93 : memref<512xf32, #tpu.memory_space<hbm>>) target(%arg21 : memref<512xf32, #tpu.memory_space<vmem>>) target_semaphore(%arg32 : memref<!tpu.dma_semaphore, #tpu.memory_space<semaphore_mem>>)
    %dma_start3A_94 = tpu.memref_slice %arg5[%select_n3A, %mul3A_32] : memref<8x2048xf32, #tpu.memory_space<hbm>> -> memref<1x512xf32, #tpu.memory_space<hbm>>
    %dma_start3A_95 = tpu.memref_squeeze %dma_start3A_94 : memref<1x512xf32, #tpu.memory_space<hbm>> -> memref<512xf32, #tpu.memory_space<hbm>>
    %dma_start3A_96 = tpu.memref_slice %arg5[%select_n3A, %mul3A_32] : memref<8x2048xf32, #tpu.memory_space<hbm>> -> memref<1x512xf32, #tpu.memory_space<hbm>>
    %dma_start3A_97 = tpu.memref_squeeze %dma_start3A_96 : memref<1x512xf32, #tpu.memory_space<hbm>> -> memref<512xf32, #tpu.memory_space<hbm>>
    tpu.enqueue_dma source(%dma_start3A_97 : memref<512xf32, #tpu.memory_space<hbm>>) target(%arg22 : memref<512xf32, #tpu.memory_space<vmem>>) target_semaphore(%arg32 : memref<!tpu.dma_semaphore, #tpu.memory_space<semaphore_mem>>)
    %dma_start3A_98 = arith.constant 0 : i32
    %dma_start3A_99 = tpu.memref_slice %arg2[%select_n3A_56, %dma_start3A_98] : memref<8x2048xi32, #tpu.memory_space<hbm>> -> memref<1x2048xi32, #tpu.memory_space<hbm>>
    %dma_start3A_100 = tpu.memref_squeeze %dma_start3A_99 : memref<1x2048xi32, #tpu.memory_space<hbm>> -> memref<2048xi32, #tpu.memory_space<hbm>>
    %dma_start3A_101 = arith.constant 0 : i32
    %dma_start3A_102 = tpu.memref_slice %arg2[%select_n3A_56, %dma_start3A_101] : memref<8x2048xi32, #tpu.memory_space<hbm>> -> memref<1x2048xi32, #tpu.memory_space<hbm>>
    %dma_start3A_103 = tpu.memref_squeeze %dma_start3A_102 : memref<1x2048xi32, #tpu.memory_space<hbm>> -> memref<2048xi32, #tpu.memory_space<hbm>>
    tpu.enqueue_dma source(%dma_start3A_103 : memref<2048xi32, #tpu.memory_space<hbm>>) target(%arg18 : memref<2048xi32, #tpu.memory_space<vmem>>) target_semaphore(%arg32 : memref<!tpu.dma_semaphore, #tpu.memory_space<semaphore_mem>>)
    %dma_start3A_104 = arith.constant 0 : i32
    %dma_start3A_105 = tpu.memref_slice %arg8[%select_n3A_56, %dma_start3A_104] : memref<8x6144xf32, #tpu.memory_space<hbm>> -> memref<1x6144xf32, #tpu.memory_space<hbm>>
    %dma_start3A_106 = tpu.memref_squeeze %dma_start3A_105 : memref<1x6144xf32, #tpu.memory_space<hbm>> -> memref<6144xf32, #tpu.memory_space<hbm>>
    %dma_start3A_107 = arith.constant 0 : i32
    %dma_start3A_108 = tpu.memref_slice %arg8[%select_n3A_56, %dma_start3A_107] : memref<8x6144xf32, #tpu.memory_space<hbm>> -> memref<1x6144xf32, #tpu.memory_space<hbm>>
    %dma_start3A_109 = tpu.memref_squeeze %dma_start3A_108 : memref<1x6144xf32, #tpu.memory_space<hbm>> -> memref<6144xf32, #tpu.memory_space<hbm>>
    tpu.enqueue_dma source(%dma_start3A_109 : memref<6144xf32, #tpu.memory_space<hbm>>) target(%arg19 : memref<6144xf32, #tpu.memory_space<vmem>>) target_semaphore(%arg32 : memref<!tpu.dma_semaphore, #tpu.memory_space<semaphore_mem>>)
    %dma_start3A_110 = tpu.memref_slice %arg3[%select_n3A_56, %mul3A_74] : memref<8x2048xi32, #tpu.memory_space<hbm>> -> memref<1x512xi32, #tpu.memory_space<hbm>>
    %dma_start3A_111 = tpu.memref_squeeze %dma_start3A_110 : memref<1x512xi32, #tpu.memory_space<hbm>> -> memref<512xi32, #tpu.memory_space<hbm>>
    %dma_start3A_112 = tpu.memref_slice %arg3[%select_n3A_56, %mul3A_74] : memref<8x2048xi32, #tpu.memory_space<hbm>> -> memref<1x512xi32, #tpu.memory_space<hbm>>
    %dma_start3A_113 = tpu.memref_squeeze %dma_start3A_112 : memref<1x512xi32, #tpu.memory_space<hbm>> -> memref<512xi32, #tpu.memory_space<hbm>>
    tpu.enqueue_dma source(%dma_start3A_113 : memref<512xi32, #tpu.memory_space<hbm>>) target(%arg26 : memref<512xi32, #tpu.memory_space<vmem>>) target_semaphore(%arg32 : memref<!tpu.dma_semaphore, #tpu.memory_space<semaphore_mem>>)
    %dma_start3A_114 = tpu.memref_slice %arg6[%select_n3A_56, %mul3A_74] : memref<8x2048xf32, #tpu.memory_space<hbm>> -> memref<1x512xf32, #tpu.memory_space<hbm>>
    %dma_start3A_115 = tpu.memref_squeeze %dma_start3A_114 : memref<1x512xf32, #tpu.memory_space<hbm>> -> memref<512xf32, #tpu.memory_space<hbm>>
    %dma_start3A_116 = tpu.memref_slice %arg6[%select_n3A_56, %mul3A_74] : memref<8x2048xf32, #tpu.memory_space<hbm>> -> memref<1x512xf32, #tpu.memory_space<hbm>>
    %dma_start3A_117 = tpu.memref_squeeze %dma_start3A_116 : memref<1x512xf32, #tpu.memory_space<hbm>> -> memref<512xf32, #tpu.memory_space<hbm>>
    tpu.enqueue_dma source(%dma_start3A_117 : memref<512xf32, #tpu.memory_space<hbm>>) target(%arg27 : memref<512xf32, #tpu.memory_space<vmem>>) target_semaphore(%arg32 : memref<!tpu.dma_semaphore, #tpu.memory_space<semaphore_mem>>)
    %dma_start3A_118 = tpu.memref_slice %arg7[%select_n3A_56, %mul3A_74] : memref<8x2048xf32, #tpu.memory_space<hbm>> -> memref<1x512xf32, #tpu.memory_space<hbm>>
    %dma_start3A_119 = tpu.memref_squeeze %dma_start3A_118 : memref<1x512xf32, #tpu.memory_space<hbm>> -> memref<512xf32, #tpu.memory_space<hbm>>
    %dma_start3A_120 = tpu.memref_slice %arg7[%select_n3A_56, %mul3A_74] : memref<8x2048xf32, #tpu.memory_space<hbm>> -> memref<1x512xf32, #tpu.memory_space<hbm>>
    %dma_start3A_121 = tpu.memref_squeeze %dma_start3A_120 : memref<1x512xf32, #tpu.memory_space<hbm>> -> memref<512xf32, #tpu.memory_space<hbm>>
    tpu.enqueue_dma source(%dma_start3A_121 : memref<512xf32, #tpu.memory_space<hbm>>) target(%arg28 : memref<512xf32, #tpu.memory_space<vmem>>) target_semaphore(%arg32 : memref<!tpu.dma_semaphore, #tpu.memory_space<semaphore_mem>>)
    %dma_wait3A = arith.constant 0 : i32
    %dma_wait3A_122 = tpu.memref_slice %arg3[%select_n3A, %dma_wait3A] : memref<8x2048xi32, #tpu.memory_space<hbm>> -> memref<1x2048xi32, #tpu.memory_space<hbm>>
    %dma_wait3A_123 = tpu.memref_squeeze %dma_wait3A_122 : memref<1x2048xi32, #tpu.memory_space<hbm>> -> memref<2048xi32, #tpu.memory_space<hbm>>
    %dma_wait3A_124 = arith.constant 0 : i32
    %dma_wait3A_125 = tpu.memref_slice %arg3[%select_n3A, %dma_wait3A_124] : memref<8x2048xi32, #tpu.memory_space<hbm>> -> memref<1x2048xi32, #tpu.memory_space<hbm>>
    %dma_wait3A_126 = tpu.memref_squeeze %dma_wait3A_125 : memref<1x2048xi32, #tpu.memory_space<hbm>> -> memref<2048xi32, #tpu.memory_space<hbm>>
    tpu.wait_dma2 semaphore(%arg32 : memref<!tpu.dma_semaphore, #tpu.memory_space<semaphore_mem>>) src(%dma_wait3A_126 : memref<2048xi32, #tpu.memory_space<hbm>>) dst(%arg16 : memref<2048xi32, #tpu.memory_space<vmem>>)
    %dma_wait3A_127 = arith.constant 0 : i32
    %dma_wait3A_128 = tpu.memref_slice %arg9[%select_n3A, %dma_wait3A_127] : memref<8x6144xf32, #tpu.memory_space<hbm>> -> memref<1x6144xf32, #tpu.memory_space<hbm>>
    %dma_wait3A_129 = tpu.memref_squeeze %dma_wait3A_128 : memref<1x6144xf32, #tpu.memory_space<hbm>> -> memref<6144xf32, #tpu.memory_space<hbm>>
    %dma_wait3A_130 = arith.constant 0 : i32
    %dma_wait3A_131 = tpu.memref_slice %arg9[%select_n3A, %dma_wait3A_130] : memref<8x6144xf32, #tpu.memory_space<hbm>> -> memref<1x6144xf32, #tpu.memory_space<hbm>>
    %dma_wait3A_132 = tpu.memref_squeeze %dma_wait3A_131 : memref<1x6144xf32, #tpu.memory_space<hbm>> -> memref<6144xf32, #tpu.memory_space<hbm>>
    tpu.wait_dma2 semaphore(%arg32 : memref<!tpu.dma_semaphore, #tpu.memory_space<semaphore_mem>>) src(%dma_wait3A_132 : memref<6144xf32, #tpu.memory_space<hbm>>) dst(%arg17 : memref<6144xf32, #tpu.memory_space<vmem>>)
    %dma_wait3A_133 = tpu.memref_slice %arg2[%select_n3A, %mul3A_32] : memref<8x2048xi32, #tpu.memory_space<hbm>> -> memref<1x512xi32, #tpu.memory_space<hbm>>
    %dma_wait3A_134 = tpu.memref_squeeze %dma_wait3A_133 : memref<1x512xi32, #tpu.memory_space<hbm>> -> memref<512xi32, #tpu.memory_space<hbm>>
    %dma_wait3A_135 = tpu.memref_slice %arg2[%select_n3A, %mul3A_32] : memref<8x2048xi32, #tpu.memory_space<hbm>> -> memref<1x512xi32, #tpu.memory_space<hbm>>
    %dma_wait3A_136 = tpu.memref_squeeze %dma_wait3A_135 : memref<1x512xi32, #tpu.memory_space<hbm>> -> memref<512xi32, #tpu.memory_space<hbm>>
    tpu.wait_dma2 semaphore(%arg32 : memref<!tpu.dma_semaphore, #tpu.memory_space<semaphore_mem>>) src(%dma_wait3A_136 : memref<512xi32, #tpu.memory_space<hbm>>) dst(%arg20 : memref<512xi32, #tpu.memory_space<vmem>>)
    %dma_wait3A_137 = tpu.memref_slice %arg4[%select_n3A, %mul3A_32] : memref<8x2048xf32, #tpu.memory_space<hbm>> -> memref<1x512xf32, #tpu.memory_space<hbm>>
    %dma_wait3A_138 = tpu.memref_squeeze %dma_wait3A_137 : memref<1x512xf32, #tpu.memory_space<hbm>> -> memref<512xf32, #tpu.memory_space<hbm>>
    %dma_wait3A_139 = tpu.memref_slice %arg4[%select_n3A, %mul3A_32] : memref<8x2048xf32, #tpu.memory_space<hbm>> -> memref<1x512xf32, #tpu.memory_space<hbm>>
    %dma_wait3A_140 = tpu.memref_squeeze %dma_wait3A_139 : memref<1x512xf32, #tpu.memory_space<hbm>> -> memref<512xf32, #tpu.memory_space<hbm>>
    tpu.wait_dma2 semaphore(%arg32 : memref<!tpu.dma_semaphore, #tpu.memory_space<semaphore_mem>>) src(%dma_wait3A_140 : memref<512xf32, #tpu.memory_space<hbm>>) dst(%arg21 : memref<512xf32, #tpu.memory_space<vmem>>)
    %dma_wait3A_141 = tpu.memref_slice %arg5[%select_n3A, %mul3A_32] : memref<8x2048xf32, #tpu.memory_space<hbm>> -> memref<1x512xf32, #tpu.memory_space<hbm>>
    %dma_wait3A_142 = tpu.memref_squeeze %dma_wait3A_141 : memref<1x512xf32, #tpu.memory_space<hbm>> -> memref<512xf32, #tpu.memory_space<hbm>>
    %dma_wait3A_143 = tpu.memref_slice %arg5[%select_n3A, %mul3A_32] : memref<8x2048xf32, #tpu.memory_space<hbm>> -> memref<1x512xf32, #tpu.memory_space<hbm>>
    %dma_wait3A_144 = tpu.memref_squeeze %dma_wait3A_143 : memref<1x512xf32, #tpu.memory_space<hbm>> -> memref<512xf32, #tpu.memory_space<hbm>>
    tpu.wait_dma2 semaphore(%arg32 : memref<!tpu.dma_semaphore, #tpu.memory_space<semaphore_mem>>) src(%dma_wait3A_144 : memref<512xf32, #tpu.memory_space<hbm>>) dst(%arg22 : memref<512xf32, #tpu.memory_space<vmem>>)
    %dma_wait3A_145 = arith.constant 0 : i32
    %dma_wait3A_146 = tpu.memref_slice %arg2[%select_n3A_56, %dma_wait3A_145] : memref<8x2048xi32, #tpu.memory_space<hbm>> -> memref<1x2048xi32, #tpu.memory_space<hbm>>
    %dma_wait3A_147 = tpu.memref_squeeze %dma_wait3A_146 : memref<1x2048xi32, #tpu.memory_space<hbm>> -> memref<2048xi32, #tpu.memory_space<hbm>>
    %dma_wait3A_148 = arith.constant 0 : i32
    %dma_wait3A_149 = tpu.memref_slice %arg2[%select_n3A_56, %dma_wait3A_148] : memref<8x2048xi32, #tpu.memory_space<hbm>> -> memref<1x2048xi32, #tpu.memory_space<hbm>>
    %dma_wait3A_150 = tpu.memref_squeeze %dma_wait3A_149 : memref<1x2048xi32, #tpu.memory_space<hbm>> -> memref<2048xi32, #tpu.memory_space<hbm>>
    tpu.wait_dma2 semaphore(%arg32 : memref<!tpu.dma_semaphore, #tpu.memory_space<semaphore_mem>>) src(%dma_wait3A_150 : memref<2048xi32, #tpu.memory_space<hbm>>) dst(%arg18 : memref<2048xi32, #tpu.memory_space<vmem>>)
    %dma_wait3A_151 = arith.constant 0 : i32
    %dma_wait3A_152 = tpu.memref_slice %arg8[%select_n3A_56, %dma_wait3A_151] : memref<8x6144xf32, #tpu.memory_space<hbm>> -> memref<1x6144xf32, #tpu.memory_space<hbm>>
    %dma_wait3A_153 = tpu.memref_squeeze %dma_wait3A_152 : memref<1x6144xf32, #tpu.memory_space<hbm>> -> memref<6144xf32, #tpu.memory_space<hbm>>
    %dma_wait3A_154 = arith.constant 0 : i32
    %dma_wait3A_155 = tpu.memref_slice %arg8[%select_n3A_56, %dma_wait3A_154] : memref<8x6144xf32, #tpu.memory_space<hbm>> -> memref<1x6144xf32, #tpu.memory_space<hbm>>
    %dma_wait3A_156 = tpu.memref_squeeze %dma_wait3A_155 : memref<1x6144xf32, #tpu.memory_space<hbm>> -> memref<6144xf32, #tpu.memory_space<hbm>>
    tpu.wait_dma2 semaphore(%arg32 : memref<!tpu.dma_semaphore, #tpu.memory_space<semaphore_mem>>) src(%dma_wait3A_156 : memref<6144xf32, #tpu.memory_space<hbm>>) dst(%arg19 : memref<6144xf32, #tpu.memory_space<vmem>>)
    %dma_wait3A_157 = tpu.memref_slice %arg3[%select_n3A_56, %mul3A_74] : memref<8x2048xi32, #tpu.memory_space<hbm>> -> memref<1x512xi32, #tpu.memory_space<hbm>>
    %dma_wait3A_158 = tpu.memref_squeeze %dma_wait3A_157 : memref<1x512xi32, #tpu.memory_space<hbm>> -> memref<512xi32, #tpu.memory_space<hbm>>
    %dma_wait3A_159 = tpu.memref_slice %arg3[%select_n3A_56, %mul3A_74] : memref<8x2048xi32, #tpu.memory_space<hbm>> -> memref<1x512xi32, #tpu.memory_space<hbm>>
    %dma_wait3A_160 = tpu.memref_squeeze %dma_wait3A_159 : memref<1x512xi32, #tpu.memory_space<hbm>> -> memref<512xi32, #tpu.memory_space<hbm>>
    tpu.wait_dma2 semaphore(%arg32 : memref<!tpu.dma_semaphore, #tpu.memory_space<semaphore_mem>>) src(%dma_wait3A_160 : memref<512xi32, #tpu.memory_space<hbm>>) dst(%arg26 : memref<512xi32, #tpu.memory_space<vmem>>)
    %dma_wait3A_161 = tpu.memref_slice %arg6[%select_n3A_56, %mul3A_74] : memref<8x2048xf32, #tpu.memory_space<hbm>> -> memref<1x512xf32, #tpu.memory_space<hbm>>
    %dma_wait3A_162 = tpu.memref_squeeze %dma_wait3A_161 : memref<1x512xf32, #tpu.memory_space<hbm>> -> memref<512xf32, #tpu.memory_space<hbm>>
    %dma_wait3A_163 = tpu.memref_slice %arg6[%select_n3A_56, %mul3A_74] : memref<8x2048xf32, #tpu.memory_space<hbm>> -> memref<1x512xf32, #tpu.memory_space<hbm>>
    %dma_wait3A_164 = tpu.memref_squeeze %dma_wait3A_163 : memref<1x512xf32, #tpu.memory_space<hbm>> -> memref<512xf32, #tpu.memory_space<hbm>>
    tpu.wait_dma2 semaphore(%arg32 : memref<!tpu.dma_semaphore, #tpu.memory_space<semaphore_mem>>) src(%dma_wait3A_164 : memref<512xf32, #tpu.memory_space<hbm>>) dst(%arg27 : memref<512xf32, #tpu.memory_space<vmem>>)
    %dma_wait3A_165 = tpu.memref_slice %arg7[%select_n3A_56, %mul3A_74] : memref<8x2048xf32, #tpu.memory_space<hbm>> -> memref<1x512xf32, #tpu.memory_space<hbm>>
    %dma_wait3A_166 = tpu.memref_squeeze %dma_wait3A_165 : memref<1x512xf32, #tpu.memory_space<hbm>> -> memref<512xf32, #tpu.memory_space<hbm>>
    %dma_wait3A_167 = tpu.memref_slice %arg7[%select_n3A_56, %mul3A_74] : memref<8x2048xf32, #tpu.memory_space<hbm>> -> memref<1x512xf32, #tpu.memory_space<hbm>>
    %dma_wait3A_168 = tpu.memref_squeeze %dma_wait3A_167 : memref<1x512xf32, #tpu.memory_space<hbm>> -> memref<512xf32, #tpu.memory_space<hbm>>
    tpu.wait_dma2 semaphore(%arg32 : memref<!tpu.dma_semaphore, #tpu.memory_space<semaphore_mem>>) src(%dma_wait3A_168 : memref<512xf32, #tpu.memory_space<hbm>>) dst(%arg28 : memref<512xf32, #tpu.memory_space<vmem>>)
    %iota3A = tpu.iota {dimensions = array<i32: 0>} : vector<16xi32>
    %scan3A = arith.constant 0.902499973 : f32
    %scan3A_169 = arith.constant 1.000000e+00 : f32
    %scan3A_170 = arith.constant 0 : i32
    %scan3A_171 = arith.constant 0 : i32
    %scan3A_172 = arith.constant 32 : i32
    %scan3A_173 = arith.addi %scan3A_171, %scan3A_172 : i32
    %scan3A_174 = arith.constant 4 : i32
    %scan3A_175 = scf.for %scan3A_239 = %scan3A_171 to %scan3A_173 step %scan3A_174 iter_args(%scan3A_240 = %scan3A_170) -> (i32)  : i32 {
      %mul3A_241 = arith.constant 16 : i32
      %mul3A_242 = arith.muli %scan3A_239, %mul3A_241 : i32
      %get3A = arith.index_cast %mul3A_242 : i32 to index
      %get3A_243 = tpu.vector_load %arg20[%get3A] {strides = array<i32>} : memref<512xi32, #tpu.memory_space<vmem>>, vector<16xi32>,
      %gather3A = tpu.vector_load_idx %arg16[%get3A_243] : memref<2048xi32, #tpu.memory_space<vmem>>[vector<16xi32>], vector<16xi32>,
      %add3A_244 = arith.addi %mul3A_32, %mul3A_242 : i32
      %add3A_245 = vector.broadcast %add3A_244 : i32 to vector<16xi32>
      %add3A_246 = arith.addi %add3A_245, %iota3A : vector<16xi32>
      %eq3A_247 = arith.cmpi eq, %gather3A, %add3A_246 : vector<16xi32>
      %get3A_248 = arith.index_cast %mul3A_242 : i32 to index
      %get3A_249 = tpu.vector_load %arg21[%get3A_248] {strides = array<i32>} : memref<512xf32, #tpu.memory_space<vmem>>, vector<16xf32>,
      %get3A_250 = arith.index_cast %mul3A_242 : i32 to index
      %get3A_251 = tpu.vector_load %arg22[%get3A_250] {strides = array<i32>} : memref<512xf32, #tpu.memory_space<vmem>>, vector<16xf32>,
      %sub3A_252 = arith.constant 1.000000e+00 : f32
      %sub3A_253 = vector.broadcast %sub3A_252 : f32 to vector<16xf32>
      %sub3A_254 = arith.subf %sub3A_253, %get3A_249 : vector<16xf32>
      %mul3A_255 = arith.constant 2.000000e+00 : f32
      %mul3A_256 = vector.broadcast %mul3A_255 : f32 to vector<16xf32>
      %mul3A_257 = arith.mulf %mul3A_256, %sub3A_254 : vector<16xf32>
      %sub3A_258 = arith.constant 1.000000e+00 : f32
      %sub3A_259 = vector.broadcast %sub3A_258 : f32 to vector<16xf32>
      %sub3A_260 = arith.subf %sub3A_259, %get3A_251 : vector<16xf32>
      %mul3A_261 = arith.constant 2.000000e+00 : f32
      %mul3A_262 = vector.broadcast %mul3A_261 : f32 to vector<16xf32>
      %mul3A_263 = arith.mulf %mul3A_262, %sub3A_260 : vector<16xf32>
      %mul3A_264 = vector.broadcast %scan3A : f32 to vector<16xf32>
      %mul3A_265 = arith.mulf %mul3A_264, %mul3A_263 : vector<16xf32>
      %le3A = arith.cmpf ole, %mul3A_257, %mul3A_265 : vector<16xf32>
      %and3A_266 = arith.andi %eq3A_247, %le3A : vector<16xi1>
      %le3A_267 = vector.broadcast %scan3A_169 : f32 to vector<16xf32>
      %le3A_268 = arith.cmpf ole, %mul3A_257, %le3A_267 : vector<16xf32>
      %and3A_269 = arith.andi %and3A_266, %le3A_268 : vector<16xi1>
      %jit3A_270 = arith.constant -1 : i32
      %broadcast_in_dim3A = vector.broadcast %jit3A_270 : i32 to vector<16xi32>
      %select_n3A_271 = arith.select %and3A_269, %get3A_243, %broadcast_in_dim3A : vector<16xi1>, vector<16xi32>
      %swap3A = arith.index_cast %mul3A_242 : i32 to index
      %swap3A_272 = tpu.vector_load %arg23[%swap3A] {strides = array<i32>} : memref<512xi32, #tpu.memory_space<vmem>>, vector<16xi32>,
      tpu.vector_store %arg23[%swap3A], %select_n3A_271 {strides = array<i32>} : memref<512xi32, #tpu.memory_space<vmem>>, vector<16xi32>,
      %add3A_273 = arith.constant 1.000000e+00 : f32
      %add3A_274 = vector.broadcast %add3A_273 : f32 to vector<16xf32>
      %add3A_275 = arith.addf %get3A_249, %add3A_274 : vector<16xf32>
      %mul3A_276 = arith.constant 5.000000e-01 : f32
      %mul3A_277 = vector.broadcast %mul3A_276 : f32 to vector<16xf32>
      %mul3A_278 = arith.mulf %add3A_275, %mul3A_277 : vector<16xf32>
      %jit3A_279 = arith.constant 0.000000e+00 : f32
      %broadcast_in_dim3A_280 = vector.broadcast %jit3A_279 : f32 to vector<16xf32>
      %select_n3A_281 = arith.select %and3A_269, %mul3A_278, %broadcast_in_dim3A_280 : vector<16xi1>, vector<16xf32>
      %swap3A_282 = arith.index_cast %mul3A_242 : i32 to index
      %swap3A_283 = tpu.vector_load %arg24[%swap3A_282] {strides = array<i32>} : memref<512xf32, #tpu.memory_space<vmem>>, vector<16xf32>,
      tpu.vector_store %arg24[%swap3A_282], %select_n3A_281 {strides = array<i32>} : memref<512xf32, #tpu.memory_space<vmem>>, vector<16xf32>,
      %jit3A_284 = arith.constant 0 : i32
      %jit3A_285 = arith.constant 2047 : i32
      %max3A = vector.broadcast %jit3A_284 : i32 to vector<16xi32>
      %max3A_286 = arith.maxsi %max3A, %get3A_243 : vector<16xi32>
      %min3A = vector.broadcast %jit3A_285 : i32 to vector<16xi32>
      %min3A_287 = arith.minsi %min3A, %max3A_286 : vector<16xi32>
      %mul3A_288 = arith.constant 3 : i32
      %mul3A_289 = vector.broadcast %mul3A_288 : i32 to vector<16xi32>
      %mul3A_290 = arith.muli %min3A_287, %mul3A_289 : vector<16xi32>
      %convert_element_type3A = arith.extui %and3A_269 : vector<16xi1> to vector<16xi32>
      %convert_element_type3A_291 = arith.sitofp %convert_element_type3A : vector<16xi32> to vector<16xf32>
      %add3A_292 = vector.broadcast %mul3A_242 : i32 to vector<16xi32>
      %add3A_293 = arith.addi %add3A_292, %iota3A : vector<16xi32>
      %mul3A_294 = arith.constant 3 : i32
      %mul3A_295 = vector.broadcast %mul3A_294 : i32 to vector<16xi32>
      %mul3A_296 = arith.muli %add3A_293, %mul3A_295 : vector<16xi32>
      %add3A_297 = arith.constant 0 : i32
      %add3A_298 = vector.broadcast %add3A_297 : i32 to vector<16xi32>
      %add3A_299 = arith.addi %mul3A_290, %add3A_298 : vector<16xi32>
      %gather3A_300 = tpu.vector_load_idx %arg17[%add3A_299] : memref<6144xf32, #tpu.memory_space<vmem>>[vector<16xi32>], vector<16xf32>,
      %mul3A_301 = arith.mulf %gather3A_300, %convert_element_type3A_291 : vector<16xf32>
      %add3A_302 = arith.constant 0 : i32
      %add3A_303 = vector.broadcast %add3A_302 : i32 to vector<16xi32>
      %add3A_304 = arith.addi %mul3A_296, %add3A_303 : vector<16xi32>
      tpu.vector_store_idx %arg25[%add3A_304], %mul3A_301 : memref<1536xf32, #tpu.memory_space<vmem>>[vector<16xi32>], vector<16xf32>,
      %add3A_305 = arith.constant 1 : i32
      %add3A_306 = vector.broadcast %add3A_305 : i32 to vector<16xi32>
      %add3A_307 = arith.addi %mul3A_290, %add3A_306 : vector<16xi32>
      %gather3A_308 = tpu.vector_load_idx %arg17[%add3A_307] : memref<6144xf32, #tpu.memory_space<vmem>>[vector<16xi32>], vector<16xf32>,
      %mul3A_309 = arith.mulf %gather3A_308, %convert_element_type3A_291 : vector<16xf32>
      %add3A_310 = arith.constant 1 : i32
      %add3A_311 = vector.broadcast %add3A_310 : i32 to vector<16xi32>
      %add3A_312 = arith.addi %mul3A_296, %add3A_311 : vector<16xi32>
      tpu.vector_store_idx %arg25[%add3A_312], %mul3A_309 : memref<1536xf32, #tpu.memory_space<vmem>>[vector<16xi32>], vector<16xf32>,
      %add3A_313 = arith.constant 2 : i32
      %add3A_314 = vector.broadcast %add3A_313 : i32 to vector<16xi32>
      %add3A_315 = arith.addi %mul3A_290, %add3A_314 : vector<16xi32>
      %gather3A_316 = tpu.vector_load_idx %arg17[%add3A_315] : memref<6144xf32, #tpu.memory_space<vmem>>[vector<16xi32>], vector<16xf32>,
      %mul3A_317 = arith.mulf %gather3A_316, %convert_element_type3A_291 : vector<16xf32>
      %add3A_318 = arith.constant 2 : i32
      %add3A_319 = vector.broadcast %add3A_318 : i32 to vector<16xi32>
      %add3A_320 = arith.addi %mul3A_296, %add3A_319 : vector<16xi32>
      tpu.vector_store_idx %arg25[%add3A_320], %mul3A_317 : memref<1536xf32, #tpu.memory_space<vmem>>[vector<16xi32>], vector<16xf32>,
      %scan3A_321 = arith.constant 0 : i32
      %scan3A_322 = arith.constant 1 : i32
      %scan3A_323 = arith.addi %scan3A_239, %scan3A_322 : i32
      %mul3A_324 = arith.constant 16 : i32
      %mul3A_325 = arith.muli %scan3A_323, %mul3A_324 : i32
      %get3A_326 = arith.index_cast %mul3A_325 : i32 to index
      %get3A_327 = tpu.vector_load %arg20[%get3A_326] {strides = array<i32>} : memref<512xi32, #tpu.memory_space<vmem>>, vector<16xi32>,
      %gather3A_328 = tpu.vector_load_idx %arg16[%get3A_327] : memref<2048xi32, #tpu.memory_space<vmem>>[vector<16xi32>], vector<16xi32>,
      %add3A_329 = arith.addi %mul3A_32, %mul3A_325 : i32
      %add3A_330 = vector.broadcast %add3A_329 : i32 to vector<16xi32>
      %add3A_331 = arith.addi %add3A_330, %iota3A : vector<16xi32>
      %eq3A_332 = arith.cmpi eq, %gather3A_328, %add3A_331 : vector<16xi32>
      %get3A_333 = arith.index_cast %mul3A_325 : i32 to index
      %get3A_334 = tpu.vector_load %arg21[%get3A_333] {strides = array<i32>} : memref<512xf32, #tpu.memory_space<vmem>>, vector<16xf32>,
      %get3A_335 = arith.index_cast %mul3A_325 : i32 to index
      %get3A_336 = tpu.vector_load %arg22[%get3A_335] {strides = array<i32>} : memref<512xf32, #tpu.memory_space<vmem>>, vector<16xf32>,
      %sub3A_337 = arith.constant 1.000000e+00 : f32
      %sub3A_338 = vector.broadcast %sub3A_337 : f32 to vector<16xf32>
      %sub3A_339 = arith.subf %sub3A_338, %get3A_334 : vector<16xf32>
      %mul3A_340 = arith.constant 2.000000e+00 : f32
      %mul3A_341 = vector.broadcast %mul3A_340 : f32 to vector<16xf32>
      %mul3A_342 = arith.mulf %mul3A_341, %sub3A_339 : vector<16xf32>
      %sub3A_343 = arith.constant 1.000000e+00 : f32
      %sub3A_344 = vector.broadcast %sub3A_343 : f32 to vector<16xf32>
      %sub3A_345 = arith.subf %sub3A_344, %get3A_336 : vector<16xf32>
      %mul3A_346 = arith.constant 2.000000e+00 : f32
      %mul3A_347 = vector.broadcast %mul3A_346 : f32 to vector<16xf32>
      %mul3A_348 = arith.mulf %mul3A_347, %sub3A_345 : vector<16xf32>
      %mul3A_349 = vector.broadcast %scan3A : f32 to vector<16xf32>
      %mul3A_350 = arith.mulf %mul3A_349, %mul3A_348 : vector<16xf32>
      %le3A_351 = arith.cmpf ole, %mul3A_342, %mul3A_350 : vector<16xf32>
      %and3A_352 = arith.andi %eq3A_332, %le3A_351 : vector<16xi1>
      %le3A_353 = vector.broadcast %scan3A_169 : f32 to vector<16xf32>
      %le3A_354 = arith.cmpf ole, %mul3A_342, %le3A_353 : vector<16xf32>
      %and3A_355 = arith.andi %and3A_352, %le3A_354 : vector<16xi1>
      %jit3A_356 = arith.constant -1 : i32
      %broadcast_in_dim3A_357 = vector.broadcast %jit3A_356 : i32 to vector<16xi32>
      %select_n3A_358 = arith.select %and3A_355, %get3A_327, %broadcast_in_dim3A_357 : vector<16xi1>, vector<16xi32>
      %swap3A_359 = arith.index_cast %mul3A_325 : i32 to index
      %swap3A_360 = tpu.vector_load %arg23[%swap3A_359] {strides = array<i32>} : memref<512xi32, #tpu.memory_space<vmem>>, vector<16xi32>,
      tpu.vector_store %arg23[%swap3A_359], %select_n3A_358 {strides = array<i32>} : memref<512xi32, #tpu.memory_space<vmem>>, vector<16xi32>,
      %add3A_361 = arith.constant 1.000000e+00 : f32
      %add3A_362 = vector.broadcast %add3A_361 : f32 to vector<16xf32>
      %add3A_363 = arith.addf %get3A_334, %add3A_362 : vector<16xf32>
      %mul3A_364 = arith.constant 5.000000e-01 : f32
      %mul3A_365 = vector.broadcast %mul3A_364 : f32 to vector<16xf32>
      %mul3A_366 = arith.mulf %add3A_363, %mul3A_365 : vector<16xf32>
      %jit3A_367 = arith.constant 0.000000e+00 : f32
      %broadcast_in_dim3A_368 = vector.broadcast %jit3A_367 : f32 to vector<16xf32>
      %select_n3A_369 = arith.select %and3A_355, %mul3A_366, %broadcast_in_dim3A_368 : vector<16xi1>, vector<16xf32>
      %swap3A_370 = arith.index_cast %mul3A_325 : i32 to index
      %swap3A_371 = tpu.vector_load %arg24[%swap3A_370] {strides = array<i32>} : memref<512xf32, #tpu.memory_space<vmem>>, vector<16xf32>,
      tpu.vector_store %arg24[%swap3A_370], %select_n3A_369 {strides = array<i32>} : memref<512xf32, #tpu.memory_space<vmem>>, vector<16xf32>,
      %jit3A_372 = arith.constant 0 : i32
      %jit3A_373 = arith.constant 2047 : i32
      %max3A_374 = vector.broadcast %jit3A_372 : i32 to vector<16xi32>
      %max3A_375 = arith.maxsi %max3A_374, %get3A_327 : vector<16xi32>
      %min3A_376 = vector.broadcast %jit3A_373 : i32 to vector<16xi32>
      %min3A_377 = arith.minsi %min3A_376, %max3A_375 : vector<16xi32>
      %mul3A_378 = arith.constant 3 : i32
      %mul3A_379 = vector.broadcast %mul3A_378 : i32 to vector<16xi32>
      %mul3A_380 = arith.muli %min3A_377, %mul3A_379 : vector<16xi32>
      %convert_element_type3A_381 = arith.extui %and3A_355 : vector<16xi1> to vector<16xi32>
      %convert_element_type3A_382 = arith.sitofp %convert_element_type3A_381 : vector<16xi32> to vector<16xf32>
      %add3A_383 = vector.broadcast %mul3A_325 : i32 to vector<16xi32>
      %add3A_384 = arith.addi %add3A_383, %iota3A : vector<16xi32>
      %mul3A_385 = arith.constant 3 : i32
      %mul3A_386 = vector.broadcast %mul3A_385 : i32 to vector<16xi32>
      %mul3A_387 = arith.muli %add3A_384, %mul3A_386 : vector<16xi32>
      %add3A_388 = arith.constant 0 : i32
      %add3A_389 = vector.broadcast %add3A_388 : i32 to vector<16xi32>
      %add3A_390 = arith.addi %mul3A_380, %add3A_389 : vector<16xi32>
      %gather3A_391 = tpu.vector_load_idx %arg17[%add3A_390] : memref<6144xf32, #tpu.memory_space<vmem>>[vector<16xi32>], vector<16xf32>,
      %mul3A_392 = arith.mulf %gather3A_391, %convert_element_type3A_382 : vector<16xf32>
      %add3A_393 = arith.constant 0 : i32
      %add3A_394 = vector.broadcast %add3A_393 : i32 to vector<16xi32>
      %add3A_395 = arith.addi %mul3A_387, %add3A_394 : vector<16xi32>
      tpu.vector_store_idx %arg25[%add3A_395], %mul3A_392 : memref<1536xf32, #tpu.memory_space<vmem>>[vector<16xi32>], vector<16xf32>,
      %add3A_396 = arith.constant 1 : i32
      %add3A_397 = vector.broadcast %add3A_396 : i32 to vector<16xi32>
      %add3A_398 = arith.addi %mul3A_380, %add3A_397 : vector<16xi32>
      %gather3A_399 = tpu.vector_load_idx %arg17[%add3A_398] : memref<6144xf32, #tpu.memory_space<vmem>>[vector<16xi32>], vector<16xf32>,
      %mul3A_400 = arith.mulf %gather3A_399, %convert_element_type3A_382 : vector<16xf32>
      %add3A_401 = arith.constant 1 : i32
      %add3A_402 = vector.broadcast %add3A_401 : i32 to vector<16xi32>
      %add3A_403 = arith.addi %mul3A_387, %add3A_402 : vector<16xi32>
      tpu.vector_store_idx %arg25[%add3A_403], %mul3A_400 : memref<1536xf32, #tpu.memory_space<vmem>>[vector<16xi32>], vector<16xf32>,
      %add3A_404 = arith.constant 2 : i32
      %add3A_405 = vector.broadcast %add3A_404 : i32 to vector<16xi32>
      %add3A_406 = arith.addi %mul3A_380, %add3A_405 : vector<16xi32>
      %gather3A_407 = tpu.vector_load_idx %arg17[%add3A_406] : memref<6144xf32, #tpu.memory_space<vmem>>[vector<16xi32>], vector<16xf32>,
      %mul3A_408 = arith.mulf %gather3A_407, %convert_element_type3A_382 : vector<16xf32>
      %add3A_409 = arith.constant 2 : i32
      %add3A_410 = vector.broadcast %add3A_409 : i32 to vector<16xi32>
      %add3A_411 = arith.addi %mul3A_387, %add3A_410 : vector<16xi32>
      tpu.vector_store_idx %arg25[%add3A_411], %mul3A_408 : memref<1536xf32, #tpu.memory_space<vmem>>[vector<16xi32>], vector<16xf32>,
      %scan3A_412 = arith.constant 0 : i32
      %scan3A_413 = arith.constant 2 : i32
      %scan3A_414 = arith.addi %scan3A_239, %scan3A_413 : i32
      %mul3A_415 = arith.constant 16 : i32
      %mul3A_416 = arith.muli %scan3A_414, %mul3A_415 : i32
      %get3A_417 = arith.index_cast %mul3A_416 : i32 to index
      %get3A_418 = tpu.vector_load %arg20[%get3A_417] {strides = array<i32>} : memref<512xi32, #tpu.memory_space<vmem>>, vector<16xi32>,
      %gather3A_419 = tpu.vector_load_idx %arg16[%get3A_418] : memref<2048xi32, #tpu.memory_space<vmem>>[vector<16xi32>], vector<16xi32>,
      %add3A_420 = arith.addi %mul3A_32, %mul3A_416 : i32
      %add3A_421 = vector.broadcast %add3A_420 : i32 to vector<16xi32>
      %add3A_422 = arith.addi %add3A_421, %iota3A : vector<16xi32>
      %eq3A_423 = arith.cmpi eq, %gather3A_419, %add3A_422 : vector<16xi32>
      %get3A_424 = arith.index_cast %mul3A_416 : i32 to index
      %get3A_425 = tpu.vector_load %arg21[%get3A_424] {strides = array<i32>} : memref<512xf32, #tpu.memory_space<vmem>>, vector<16xf32>,
      %get3A_426 = arith.index_cast %mul3A_416 : i32 to index
      %get3A_427 = tpu.vector_load %arg22[%get3A_426] {strides = array<i32>} : memref<512xf32, #tpu.memory_space<vmem>>, vector<16xf32>,
      %sub3A_428 = arith.constant 1.000000e+00 : f32
      %sub3A_429 = vector.broadcast %sub3A_428 : f32 to vector<16xf32>
      %sub3A_430 = arith.subf %sub3A_429, %get3A_425 : vector<16xf32>
      %mul3A_431 = arith.constant 2.000000e+00 : f32
      %mul3A_432 = vector.broadcast %mul3A_431 : f32 to vector<16xf32>
      %mul3A_433 = arith.mulf %mul3A_432, %sub3A_430 : vector<16xf32>
      %sub3A_434 = arith.constant 1.000000e+00 : f32
      %sub3A_435 = vector.broadcast %sub3A_434 : f32 to vector<16xf32>
      %sub3A_436 = arith.subf %sub3A_435, %get3A_427 : vector<16xf32>
      %mul3A_437 = arith.constant 2.000000e+00 : f32
      %mul3A_438 = vector.broadcast %mul3A_437 : f32 to vector<16xf32>
      %mul3A_439 = arith.mulf %mul3A_438, %sub3A_436 : vector<16xf32>
      %mul3A_440 = vector.broadcast %scan3A : f32 to vector<16xf32>
      %mul3A_441 = arith.mulf %mul3A_440, %mul3A_439 : vector<16xf32>
      %le3A_442 = arith.cmpf ole, %mul3A_433, %mul3A_441 : vector<16xf32>
      %and3A_443 = arith.andi %eq3A_423, %le3A_442 : vector<16xi1>
      %le3A_444 = vector.broadcast %scan3A_169 : f32 to vector<16xf32>
      %le3A_445 = arith.cmpf ole, %mul3A_433, %le3A_444 : vector<16xf32>
      %and3A_446 = arith.andi %and3A_443, %le3A_445 : vector<16xi1>
      %jit3A_447 = arith.constant -1 : i32
      %broadcast_in_dim3A_448 = vector.broadcast %jit3A_447 : i32 to vector<16xi32>
      %select_n3A_449 = arith.select %and3A_446, %get3A_418, %broadcast_in_dim3A_448 : vector<16xi1>, vector<16xi32>
      %swap3A_450 = arith.index_cast %mul3A_416 : i32 to index
      %swap3A_451 = tpu.vector_load %arg23[%swap3A_450] {strides = array<i32>} : memref<512xi32, #tpu.memory_space<vmem>>, vector<16xi32>,
      tpu.vector_store %arg23[%swap3A_450], %select_n3A_449 {strides = array<i32>} : memref<512xi32, #tpu.memory_space<vmem>>, vector<16xi32>,
      %add3A_452 = arith.constant 1.000000e+00 : f32
      %add3A_453 = vector.broadcast %add3A_452 : f32 to vector<16xf32>
      %add3A_454 = arith.addf %get3A_425, %add3A_453 : vector<16xf32>
      %mul3A_455 = arith.constant 5.000000e-01 : f32
      %mul3A_456 = vector.broadcast %mul3A_455 : f32 to vector<16xf32>
      %mul3A_457 = arith.mulf %add3A_454, %mul3A_456 : vector<16xf32>
      %jit3A_458 = arith.constant 0.000000e+00 : f32
      %broadcast_in_dim3A_459 = vector.broadcast %jit3A_458 : f32 to vector<16xf32>
      %select_n3A_460 = arith.select %and3A_446, %mul3A_457, %broadcast_in_dim3A_459 : vector<16xi1>, vector<16xf32>
      %swap3A_461 = arith.index_cast %mul3A_416 : i32 to index
      %swap3A_462 = tpu.vector_load %arg24[%swap3A_461] {strides = array<i32>} : memref<512xf32, #tpu.memory_space<vmem>>, vector<16xf32>,
      tpu.vector_store %arg24[%swap3A_461], %select_n3A_460 {strides = array<i32>} : memref<512xf32, #tpu.memory_space<vmem>>, vector<16xf32>,
      %jit3A_463 = arith.constant 0 : i32
      %jit3A_464 = arith.constant 2047 : i32
      %max3A_465 = vector.broadcast %jit3A_463 : i32 to vector<16xi32>
      %max3A_466 = arith.maxsi %max3A_465, %get3A_418 : vector<16xi32>
      %min3A_467 = vector.broadcast %jit3A_464 : i32 to vector<16xi32>
      %min3A_468 = arith.minsi %min3A_467, %max3A_466 : vector<16xi32>
      %mul3A_469 = arith.constant 3 : i32
      %mul3A_470 = vector.broadcast %mul3A_469 : i32 to vector<16xi32>
      %mul3A_471 = arith.muli %min3A_468, %mul3A_470 : vector<16xi32>
      %convert_element_type3A_472 = arith.extui %and3A_446 : vector<16xi1> to vector<16xi32>
      %convert_element_type3A_473 = arith.sitofp %convert_element_type3A_472 : vector<16xi32> to vector<16xf32>
      %add3A_474 = vector.broadcast %mul3A_416 : i32 to vector<16xi32>
      %add3A_475 = arith.addi %add3A_474, %iota3A : vector<16xi32>
      %mul3A_476 = arith.constant 3 : i32
      %mul3A_477 = vector.broadcast %mul3A_476 : i32 to vector<16xi32>
      %mul3A_478 = arith.muli %add3A_475, %mul3A_477 : vector<16xi32>
      %add3A_479 = arith.constant 0 : i32
      %add3A_480 = vector.broadcast %add3A_479 : i32 to vector<16xi32>
      %add3A_481 = arith.addi %mul3A_471, %add3A_480 : vector<16xi32>
      %gather3A_482 = tpu.vector_load_idx %arg17[%add3A_481] : memref<6144xf32, #tpu.memory_space<vmem>>[vector<16xi32>], vector<16xf32>,
      %mul3A_483 = arith.mulf %gather3A_482, %convert_element_type3A_473 : vector<16xf32>
      %add3A_484 = arith.constant 0 : i32
      %add3A_485 = vector.broadcast %add3A_484 : i32 to vector<16xi32>
      %add3A_486 = arith.addi %mul3A_478, %add3A_485 : vector<16xi32>
      tpu.vector_store_idx %arg25[%add3A_486], %mul3A_483 : memref<1536xf32, #tpu.memory_space<vmem>>[vector<16xi32>], vector<16xf32>,
      %add3A_487 = arith.constant 1 : i32
      %add3A_488 = vector.broadcast %add3A_487 : i32 to vector<16xi32>
      %add3A_489 = arith.addi %mul3A_471, %add3A_488 : vector<16xi32>
      %gather3A_490 = tpu.vector_load_idx %arg17[%add3A_489] : memref<6144xf32, #tpu.memory_space<vmem>>[vector<16xi32>], vector<16xf32>,
      %mul3A_491 = arith.mulf %gather3A_490, %convert_element_type3A_473 : vector<16xf32>
      %add3A_492 = arith.constant 1 : i32
      %add3A_493 = vector.broadcast %add3A_492 : i32 to vector<16xi32>
      %add3A_494 = arith.addi %mul3A_478, %add3A_493 : vector<16xi32>
      tpu.vector_store_idx %arg25[%add3A_494], %mul3A_491 : memref<1536xf32, #tpu.memory_space<vmem>>[vector<16xi32>], vector<16xf32>,
      %add3A_495 = arith.constant 2 : i32
      %add3A_496 = vector.broadcast %add3A_495 : i32 to vector<16xi32>
      %add3A_497 = arith.addi %mul3A_471, %add3A_496 : vector<16xi32>
      %gather3A_498 = tpu.vector_load_idx %arg17[%add3A_497] : memref<6144xf32, #tpu.memory_space<vmem>>[vector<16xi32>], vector<16xf32>,
      %mul3A_499 = arith.mulf %gather3A_498, %convert_element_type3A_473 : vector<16xf32>
      %add3A_500 = arith.constant 2 : i32
      %add3A_501 = vector.broadcast %add3A_500 : i32 to vector<16xi32>
      %add3A_502 = arith.addi %mul3A_478, %add3A_501 : vector<16xi32>
      tpu.vector_store_idx %arg25[%add3A_502], %mul3A_499 : memref<1536xf32, #tpu.memory_space<vmem>>[vector<16xi32>], vector<16xf32>,
      %scan3A_503 = arith.constant 0 : i32
      %scan3A_504 = arith.constant 3 : i32
      %scan3A_505 = arith.addi %scan3A_239, %scan3A_504 : i32
      %mul3A_506 = arith.constant 16 : i32
      %mul3A_507 = arith.muli %scan3A_505, %mul3A_506 : i32
      %get3A_508 = arith.index_cast %mul3A_507 : i32 to index
      %get3A_509 = tpu.vector_load %arg20[%get3A_508] {strides = array<i32>} : memref<512xi32, #tpu.memory_space<vmem>>, vector<16xi32>,
      %gather3A_510 = tpu.vector_load_idx %arg16[%get3A_509] : memref<2048xi32, #tpu.memory_space<vmem>>[vector<16xi32>], vector<16xi32>,
      %add3A_511 = arith.addi %mul3A_32, %mul3A_507 : i32
      %add3A_512 = vector.broadcast %add3A_511 : i32 to vector<16xi32>
      %add3A_513 = arith.addi %add3A_512, %iota3A : vector<16xi32>
      %eq3A_514 = arith.cmpi eq, %gather3A_510, %add3A_513 : vector<16xi32>
      %get3A_515 = arith.index_cast %mul3A_507 : i32 to index
      %get3A_516 = tpu.vector_load %arg21[%get3A_515] {strides = array<i32>} : memref<512xf32, #tpu.memory_space<vmem>>, vector<16xf32>,
      %get3A_517 = arith.index_cast %mul3A_507 : i32 to index
      %get3A_518 = tpu.vector_load %arg22[%get3A_517] {strides = array<i32>} : memref<512xf32, #tpu.memory_space<vmem>>, vector<16xf32>,
      %sub3A_519 = arith.constant 1.000000e+00 : f32
      %sub3A_520 = vector.broadcast %sub3A_519 : f32 to vector<16xf32>
      %sub3A_521 = arith.subf %sub3A_520, %get3A_516 : vector<16xf32>
      %mul3A_522 = arith.constant 2.000000e+00 : f32
      %mul3A_523 = vector.broadcast %mul3A_522 : f32 to vector<16xf32>
      %mul3A_524 = arith.mulf %mul3A_523, %sub3A_521 : vector<16xf32>
      %sub3A_525 = arith.constant 1.000000e+00 : f32
      %sub3A_526 = vector.broadcast %sub3A_525 : f32 to vector<16xf32>
      %sub3A_527 = arith.subf %sub3A_526, %get3A_518 : vector<16xf32>
      %mul3A_528 = arith.constant 2.000000e+00 : f32
      %mul3A_529 = vector.broadcast %mul3A_528 : f32 to vector<16xf32>
      %mul3A_530 = arith.mulf %mul3A_529, %sub3A_527 : vector<16xf32>
      %mul3A_531 = vector.broadcast %scan3A : f32 to vector<16xf32>
      %mul3A_532 = arith.mulf %mul3A_531, %mul3A_530 : vector<16xf32>
      %le3A_533 = arith.cmpf ole, %mul3A_524, %mul3A_532 : vector<16xf32>
      %and3A_534 = arith.andi %eq3A_514, %le3A_533 : vector<16xi1>
      %le3A_535 = vector.broadcast %scan3A_169 : f32 to vector<16xf32>
      %le3A_536 = arith.cmpf ole, %mul3A_524, %le3A_535 : vector<16xf32>
      %and3A_537 = arith.andi %and3A_534, %le3A_536 : vector<16xi1>
      %jit3A_538 = arith.constant -1 : i32
      %broadcast_in_dim3A_539 = vector.broadcast %jit3A_538 : i32 to vector<16xi32>
      %select_n3A_540 = arith.select %and3A_537, %get3A_509, %broadcast_in_dim3A_539 : vector<16xi1>, vector<16xi32>
      %swap3A_541 = arith.index_cast %mul3A_507 : i32 to index
      %swap3A_542 = tpu.vector_load %arg23[%swap3A_541] {strides = array<i32>} : memref<512xi32, #tpu.memory_space<vmem>>, vector<16xi32>,
      tpu.vector_store %arg23[%swap3A_541], %select_n3A_540 {strides = array<i32>} : memref<512xi32, #tpu.memory_space<vmem>>, vector<16xi32>,
      %add3A_543 = arith.constant 1.000000e+00 : f32
      %add3A_544 = vector.broadcast %add3A_543 : f32 to vector<16xf32>
      %add3A_545 = arith.addf %get3A_516, %add3A_544 : vector<16xf32>
      %mul3A_546 = arith.constant 5.000000e-01 : f32
      %mul3A_547 = vector.broadcast %mul3A_546 : f32 to vector<16xf32>
      %mul3A_548 = arith.mulf %add3A_545, %mul3A_547 : vector<16xf32>
      %jit3A_549 = arith.constant 0.000000e+00 : f32
      %broadcast_in_dim3A_550 = vector.broadcast %jit3A_549 : f32 to vector<16xf32>
      %select_n3A_551 = arith.select %and3A_537, %mul3A_548, %broadcast_in_dim3A_550 : vector<16xi1>, vector<16xf32>
      %swap3A_552 = arith.index_cast %mul3A_507 : i32 to index
      %swap3A_553 = tpu.vector_load %arg24[%swap3A_552] {strides = array<i32>} : memref<512xf32, #tpu.memory_space<vmem>>, vector<16xf32>,
      tpu.vector_store %arg24[%swap3A_552], %select_n3A_551 {strides = array<i32>} : memref<512xf32, #tpu.memory_space<vmem>>, vector<16xf32>,
      %jit3A_554 = arith.constant 0 : i32
      %jit3A_555 = arith.constant 2047 : i32
      %max3A_556 = vector.broadcast %jit3A_554 : i32 to vector<16xi32>
      %max3A_557 = arith.maxsi %max3A_556, %get3A_509 : vector<16xi32>
      %min3A_558 = vector.broadcast %jit3A_555 : i32 to vector<16xi32>
      %min3A_559 = arith.minsi %min3A_558, %max3A_557 : vector<16xi32>
      %mul3A_560 = arith.constant 3 : i32
      %mul3A_561 = vector.broadcast %mul3A_560 : i32 to vector<16xi32>
      %mul3A_562 = arith.muli %min3A_559, %mul3A_561 : vector<16xi32>
      %convert_element_type3A_563 = arith.extui %and3A_537 : vector<16xi1> to vector<16xi32>
      %convert_element_type3A_564 = arith.sitofp %convert_element_type3A_563 : vector<16xi32> to vector<16xf32>
      %add3A_565 = vector.broadcast %mul3A_507 : i32 to vector<16xi32>
      %add3A_566 = arith.addi %add3A_565, %iota3A : vector<16xi32>
      %mul3A_567 = arith.constant 3 : i32
      %mul3A_568 = vector.broadcast %mul3A_567 : i32 to vector<16xi32>
      %mul3A_569 = arith.muli %add3A_566, %mul3A_568 : vector<16xi32>
      %add3A_570 = arith.constant 0 : i32
      %add3A_571 = vector.broadcast %add3A_570 : i32 to vector<16xi32>
      %add3A_572 = arith.addi %mul3A_562, %add3A_571 : vector<16xi32>
      %gather3A_573 = tpu.vector_load_idx %arg17[%add3A_572] : memref<6144xf32, #tpu.memory_space<vmem>>[vector<16xi32>], vector<16xf32>,
      %mul3A_574 = arith.mulf %gather3A_573, %convert_element_type3A_564 : vector<16xf32>
      %add3A_575 = arith.constant 0 : i32
      %add3A_576 = vector.broadcast %add3A_575 : i32 to vector<16xi32>
      %add3A_577 = arith.addi %mul3A_569, %add3A_576 : vector<16xi32>
      tpu.vector_store_idx %arg25[%add3A_577], %mul3A_574 : memref<1536xf32, #tpu.memory_space<vmem>>[vector<16xi32>], vector<16xf32>,
      %add3A_578 = arith.constant 1 : i32
      %add3A_579 = vector.broadcast %add3A_578 : i32 to vector<16xi32>
      %add3A_580 = arith.addi %mul3A_562, %add3A_579 : vector<16xi32>
      %gather3A_581 = tpu.vector_load_idx %arg17[%add3A_580] : memref<6144xf32, #tpu.memory_space<vmem>>[vector<16xi32>], vector<16xf32>,
      %mul3A_582 = arith.mulf %gather3A_581, %convert_element_type3A_564 : vector<16xf32>
      %add3A_583 = arith.constant 1 : i32
      %add3A_584 = vector.broadcast %add3A_583 : i32 to vector<16xi32>
      %add3A_585 = arith.addi %mul3A_569, %add3A_584 : vector<16xi32>
      tpu.vector_store_idx %arg25[%add3A_585], %mul3A_582 : memref<1536xf32, #tpu.memory_space<vmem>>[vector<16xi32>], vector<16xf32>,
      %add3A_586 = arith.constant 2 : i32
      %add3A_587 = vector.broadcast %add3A_586 : i32 to vector<16xi32>
      %add3A_588 = arith.addi %mul3A_562, %add3A_587 : vector<16xi32>
      %gather3A_589 = tpu.vector_load_idx %arg17[%add3A_588] : memref<6144xf32, #tpu.memory_space<vmem>>[vector<16xi32>], vector<16xf32>,
      %mul3A_590 = arith.mulf %gather3A_589, %convert_element_type3A_564 : vector<16xf32>
      %add3A_591 = arith.constant 2 : i32
      %add3A_592 = vector.broadcast %add3A_591 : i32 to vector<16xi32>
      %add3A_593 = arith.addi %mul3A_569, %add3A_592 : vector<16xi32>
      tpu.vector_store_idx %arg25[%add3A_593], %mul3A_590 : memref<1536xf32, #tpu.memory_space<vmem>>[vector<16xi32>], vector<16xf32>,
      %scan3A_594 = arith.constant 0 : i32
      scf.yield %scan3A_594 : i32
    }
    %scan3A_176 = arith.constant 32 : i32
    %dma_start3A_177 = tpu.memref_slice %arg10[%select_n3A, %mul3A_32] : memref<8x2048xi32, #tpu.memory_space<hbm>> -> memref<1x512xi32, #tpu.memory_space<hbm>>
    %dma_start3A_178 = tpu.memref_squeeze %dma_start3A_177 : memref<1x512xi32, #tpu.memory_space<hbm>> -> memref<512xi32, #tpu.memory_space<hbm>>
    %dma_start3A_179 = tpu.memref_slice %arg10[%select_n3A, %mul3A_32] : memref<8x2048xi32, #tpu.memory_space<hbm>> -> memref<1x512xi32, #tpu.memory_space<hbm>>
    %dma_start3A_180 = tpu.memref_squeeze %dma_start3A_179 : memref<1x512xi32, #tpu.memory_space<hbm>> -> memref<512xi32, #tpu.memory_space<hbm>>
    tpu.enqueue_dma source(%arg23 : memref<512xi32, #tpu.memory_space<vmem>>) target(%dma_start3A_180 : memref<512xi32, #tpu.memory_space<hbm>>) target_semaphore(%arg33 : memref<!tpu.dma_semaphore, #tpu.memory_space<semaphore_mem>>)
    %dma_start3A_181 = tpu.memref_slice %arg12[%select_n3A, %mul3A_32] : memref<8x2048xf32, #tpu.memory_space<hbm>> -> memref<1x512xf32, #tpu.memory_space<hbm>>
    %dma_start3A_182 = tpu.memref_squeeze %dma_start3A_181 : memref<1x512xf32, #tpu.memory_space<hbm>> -> memref<512xf32, #tpu.memory_space<hbm>>
    %dma_start3A_183 = tpu.memref_slice %arg12[%select_n3A, %mul3A_32] : memref<8x2048xf32, #tpu.memory_space<hbm>> -> memref<1x512xf32, #tpu.memory_space<hbm>>
    %dma_start3A_184 = tpu.memref_squeeze %dma_start3A_183 : memref<1x512xf32, #tpu.memory_space<hbm>> -> memref<512xf32, #tpu.memory_space<hbm>>
    tpu.enqueue_dma source(%arg24 : memref<512xf32, #tpu.memory_space<vmem>>) target(%dma_start3A_184 : memref<512xf32, #tpu.memory_space<hbm>>) target_semaphore(%arg33 : memref<!tpu.dma_semaphore, #tpu.memory_space<semaphore_mem>>)
    %mul3A_185 = arith.constant 3 : i32
    %mul3A_186 = arith.muli %mul3A_32, %mul3A_185 : i32
    %dma_start3A_187 = tpu.memref_slice %arg15[%select_n3A, %mul3A_186] : memref<8x6144xf32, #tpu.memory_space<hbm>> -> memref<1x1536xf32, #tpu.memory_space<hbm>>
    %dma_start3A_188 = tpu.memref_squeeze %dma_start3A_187 : memref<1x1536xf32, #tpu.memory_space<hbm>> -> memref<1536xf32, #tpu.memory_space<hbm>>
    %dma_start3A_189 = tpu.memref_slice %arg15[%select_n3A, %mul3A_186] : memref<8x6144xf32, #tpu.memory_space<hbm>> -> memref<1x1536xf32, #tpu.memory_space<hbm>>
    %dma_start3A_190 = tpu.memref_squeeze %dma_start3A_189 : memref<1x1536xf32, #tpu.memory_space<hbm>> -> memref<1536xf32, #tpu.memory_space<hbm>>
    tpu.enqueue_dma source(%arg25 : memref<1536xf32, #tpu.memory_space<vmem>>) target(%dma_start3A_190 : memref<1536xf32, #tpu.memory_space<hbm>>) target_semaphore(%arg33 : memref<!tpu.dma_semaphore, #tpu.memory_space<semaphore_mem>>)
    %iota3A_191 = tpu.iota {dimensions = array<i32: 0>} : vector<16xi32>
    %scan3A_192 = arith.constant 0.902499973 : f32
    %scan3A_193 = arith.constant 1.000000e+00 : f32
    %scan3A_194 = arith.constant 0 : i32
    %scan3A_195 = arith.constant 0 : i32
    %scan3A_196 = arith.constant 32 : i32
    %scan3A_197 = arith.addi %scan3A_195, %scan3A_196 : i32
    %scan3A_198 = arith.constant 4 : i32
    %scan3A_199 = scf.for %scan3A_239 = %scan3A_195 to %scan3A_197 step %scan3A_198 iter_args(%scan3A_240 = %scan3A_194) -> (i32)  : i32 {
      %mul3A_241 = arith.constant 16 : i32
      %mul3A_242 = arith.muli %scan3A_239, %mul3A_241 : i32
      %get3A = arith.index_cast %mul3A_242 : i32 to index
      %get3A_243 = tpu.vector_load %arg26[%get3A] {strides = array<i32>} : memref<512xi32, #tpu.memory_space<vmem>>, vector<16xi32>,
      %gather3A = tpu.vector_load_idx %arg18[%get3A_243] : memref<2048xi32, #tpu.memory_space<vmem>>[vector<16xi32>], vector<16xi32>,
      %add3A_244 = arith.addi %mul3A_74, %mul3A_242 : i32
      %add3A_245 = vector.broadcast %add3A_244 : i32 to vector<16xi32>
      %add3A_246 = arith.addi %add3A_245, %iota3A_191 : vector<16xi32>
      %eq3A_247 = arith.cmpi eq, %gather3A, %add3A_246 : vector<16xi32>
      %get3A_248 = arith.index_cast %mul3A_242 : i32 to index
      %get3A_249 = tpu.vector_load %arg27[%get3A_248] {strides = array<i32>} : memref<512xf32, #tpu.memory_space<vmem>>, vector<16xf32>,
      %get3A_250 = arith.index_cast %mul3A_242 : i32 to index
      %get3A_251 = tpu.vector_load %arg28[%get3A_250] {strides = array<i32>} : memref<512xf32, #tpu.memory_space<vmem>>, vector<16xf32>,
      %sub3A_252 = arith.constant 1.000000e+00 : f32
      %sub3A_253 = vector.broadcast %sub3A_252 : f32 to vector<16xf32>
      %sub3A_254 = arith.subf %sub3A_253, %get3A_249 : vector<16xf32>
      %mul3A_255 = arith.constant 2.000000e+00 : f32
      %mul3A_256 = vector.broadcast %mul3A_255 : f32 to vector<16xf32>
      %mul3A_257 = arith.mulf %mul3A_256, %sub3A_254 : vector<16xf32>
      %sub3A_258 = arith.constant 1.000000e+00 : f32
      %sub3A_259 = vector.broadcast %sub3A_258 : f32 to vector<16xf32>
      %sub3A_260 = arith.subf %sub3A_259, %get3A_251 : vector<16xf32>
      %mul3A_261 = arith.constant 2.000000e+00 : f32
      %mul3A_262 = vector.broadcast %mul3A_261 : f32 to vector<16xf32>
      %mul3A_263 = arith.mulf %mul3A_262, %sub3A_260 : vector<16xf32>
      %mul3A_264 = vector.broadcast %scan3A_192 : f32 to vector<16xf32>
      %mul3A_265 = arith.mulf %mul3A_264, %mul3A_263 : vector<16xf32>
      %le3A = arith.cmpf ole, %mul3A_257, %mul3A_265 : vector<16xf32>
      %and3A_266 = arith.andi %eq3A_247, %le3A : vector<16xi1>
      %le3A_267 = vector.broadcast %scan3A_193 : f32 to vector<16xf32>
      %le3A_268 = arith.cmpf ole, %mul3A_257, %le3A_267 : vector<16xf32>
      %and3A_269 = arith.andi %and3A_266, %le3A_268 : vector<16xi1>
      %jit3A_270 = arith.constant -1 : i32
      %broadcast_in_dim3A = vector.broadcast %jit3A_270 : i32 to vector<16xi32>
      %select_n3A_271 = arith.select %and3A_269, %get3A_243, %broadcast_in_dim3A : vector<16xi1>, vector<16xi32>
      %swap3A = arith.index_cast %mul3A_242 : i32 to index
      %swap3A_272 = tpu.vector_load %arg29[%swap3A] {strides = array<i32>} : memref<512xi32, #tpu.memory_space<vmem>>, vector<16xi32>,
      tpu.vector_store %arg29[%swap3A], %select_n3A_271 {strides = array<i32>} : memref<512xi32, #tpu.memory_space<vmem>>, vector<16xi32>,
      %add3A_273 = arith.constant 1.000000e+00 : f32
      %add3A_274 = vector.broadcast %add3A_273 : f32 to vector<16xf32>
      %add3A_275 = arith.addf %get3A_249, %add3A_274 : vector<16xf32>
      %mul3A_276 = arith.constant 5.000000e-01 : f32
      %mul3A_277 = vector.broadcast %mul3A_276 : f32 to vector<16xf32>
      %mul3A_278 = arith.mulf %add3A_275, %mul3A_277 : vector<16xf32>
      %jit3A_279 = arith.constant 0.000000e+00 : f32
      %broadcast_in_dim3A_280 = vector.broadcast %jit3A_279 : f32 to vector<16xf32>
      %select_n3A_281 = arith.select %and3A_269, %mul3A_278, %broadcast_in_dim3A_280 : vector<16xi1>, vector<16xf32>
      %swap3A_282 = arith.index_cast %mul3A_242 : i32 to index
      %swap3A_283 = tpu.vector_load %arg30[%swap3A_282] {strides = array<i32>} : memref<512xf32, #tpu.memory_space<vmem>>, vector<16xf32>,
      tpu.vector_store %arg30[%swap3A_282], %select_n3A_281 {strides = array<i32>} : memref<512xf32, #tpu.memory_space<vmem>>, vector<16xf32>,
      %jit3A_284 = arith.constant 0 : i32
      %jit3A_285 = arith.constant 2047 : i32
      %max3A = vector.broadcast %jit3A_284 : i32 to vector<16xi32>
      %max3A_286 = arith.maxsi %max3A, %get3A_243 : vector<16xi32>
      %min3A = vector.broadcast %jit3A_285 : i32 to vector<16xi32>
      %min3A_287 = arith.minsi %min3A, %max3A_286 : vector<16xi32>
      %mul3A_288 = arith.constant 3 : i32
      %mul3A_289 = vector.broadcast %mul3A_288 : i32 to vector<16xi32>
      %mul3A_290 = arith.muli %min3A_287, %mul3A_289 : vector<16xi32>
      %convert_element_type3A = arith.extui %and3A_269 : vector<16xi1> to vector<16xi32>
      %convert_element_type3A_291 = arith.sitofp %convert_element_type3A : vector<16xi32> to vector<16xf32>
      %add3A_292 = vector.broadcast %mul3A_242 : i32 to vector<16xi32>
      %add3A_293 = arith.addi %add3A_292, %iota3A_191 : vector<16xi32>
      %mul3A_294 = arith.constant 3 : i32
      %mul3A_295 = vector.broadcast %mul3A_294 : i32 to vector<16xi32>
      %mul3A_296 = arith.muli %add3A_293, %mul3A_295 : vector<16xi32>
      %add3A_297 = arith.constant 0 : i32
      %add3A_298 = vector.broadcast %add3A_297 : i32 to vector<16xi32>
      %add3A_299 = arith.addi %mul3A_290, %add3A_298 : vector<16xi32>
      %gather3A_300 = tpu.vector_load_idx %arg19[%add3A_299] : memref<6144xf32, #tpu.memory_space<vmem>>[vector<16xi32>], vector<16xf32>,
      %mul3A_301 = arith.mulf %gather3A_300, %convert_element_type3A_291 : vector<16xf32>
      %add3A_302 = arith.constant 0 : i32
      %add3A_303 = vector.broadcast %add3A_302 : i32 to vector<16xi32>
      %add3A_304 = arith.addi %mul3A_296, %add3A_303 : vector<16xi32>
      tpu.vector_store_idx %arg31[%add3A_304], %mul3A_301 : memref<1536xf32, #tpu.memory_space<vmem>>[vector<16xi32>], vector<16xf32>,
      %add3A_305 = arith.constant 1 : i32
      %add3A_306 = vector.broadcast %add3A_305 : i32 to vector<16xi32>
      %add3A_307 = arith.addi %mul3A_290, %add3A_306 : vector<16xi32>
      %gather3A_308 = tpu.vector_load_idx %arg19[%add3A_307] : memref<6144xf32, #tpu.memory_space<vmem>>[vector<16xi32>], vector<16xf32>,
      %mul3A_309 = arith.mulf %gather3A_308, %convert_element_type3A_291 : vector<16xf32>
      %add3A_310 = arith.constant 1 : i32
      %add3A_311 = vector.broadcast %add3A_310 : i32 to vector<16xi32>
      %add3A_312 = arith.addi %mul3A_296, %add3A_311 : vector<16xi32>
      tpu.vector_store_idx %arg31[%add3A_312], %mul3A_309 : memref<1536xf32, #tpu.memory_space<vmem>>[vector<16xi32>], vector<16xf32>,
      %add3A_313 = arith.constant 2 : i32
      %add3A_314 = vector.broadcast %add3A_313 : i32 to vector<16xi32>
      %add3A_315 = arith.addi %mul3A_290, %add3A_314 : vector<16xi32>
      %gather3A_316 = tpu.vector_load_idx %arg19[%add3A_315] : memref<6144xf32, #tpu.memory_space<vmem>>[vector<16xi32>], vector<16xf32>,
      %mul3A_317 = arith.mulf %gather3A_316, %convert_element_type3A_291 : vector<16xf32>
      %add3A_318 = arith.constant 2 : i32
      %add3A_319 = vector.broadcast %add3A_318 : i32 to vector<16xi32>
      %add3A_320 = arith.addi %mul3A_296, %add3A_319 : vector<16xi32>
      tpu.vector_store_idx %arg31[%add3A_320], %mul3A_317 : memref<1536xf32, #tpu.memory_space<vmem>>[vector<16xi32>], vector<16xf32>,
      %scan3A_321 = arith.constant 0 : i32
      %scan3A_322 = arith.constant 1 : i32
      %scan3A_323 = arith.addi %scan3A_239, %scan3A_322 : i32
      %mul3A_324 = arith.constant 16 : i32
      %mul3A_325 = arith.muli %scan3A_323, %mul3A_324 : i32
      %get3A_326 = arith.index_cast %mul3A_325 : i32 to index
      %get3A_327 = tpu.vector_load %arg26[%get3A_326] {strides = array<i32>} : memref<512xi32, #tpu.memory_space<vmem>>, vector<16xi32>,
      %gather3A_328 = tpu.vector_load_idx %arg18[%get3A_327] : memref<2048xi32, #tpu.memory_space<vmem>>[vector<16xi32>], vector<16xi32>,
      %add3A_329 = arith.addi %mul3A_74, %mul3A_325 : i32
      %add3A_330 = vector.broadcast %add3A_329 : i32 to vector<16xi32>
      %add3A_331 = arith.addi %add3A_330, %iota3A_191 : vector<16xi32>
      %eq3A_332 = arith.cmpi eq, %gather3A_328, %add3A_331 : vector<16xi32>
      %get3A_333 = arith.index_cast %mul3A_325 : i32 to index
      %get3A_334 = tpu.vector_load %arg27[%get3A_333] {strides = array<i32>} : memref<512xf32, #tpu.memory_space<vmem>>, vector<16xf32>,
      %get3A_335 = arith.index_cast %mul3A_325 : i32 to index
      %get3A_336 = tpu.vector_load %arg28[%get3A_335] {strides = array<i32>} : memref<512xf32, #tpu.memory_space<vmem>>, vector<16xf32>,
      %sub3A_337 = arith.constant 1.000000e+00 : f32
      %sub3A_338 = vector.broadcast %sub3A_337 : f32 to vector<16xf32>
      %sub3A_339 = arith.subf %sub3A_338, %get3A_334 : vector<16xf32>
      %mul3A_340 = arith.constant 2.000000e+00 : f32
      %mul3A_341 = vector.broadcast %mul3A_340 : f32 to vector<16xf32>
      %mul3A_342 = arith.mulf %mul3A_341, %sub3A_339 : vector<16xf32>
      %sub3A_343 = arith.constant 1.000000e+00 : f32
      %sub3A_344 = vector.broadcast %sub3A_343 : f32 to vector<16xf32>
      %sub3A_345 = arith.subf %sub3A_344, %get3A_336 : vector<16xf32>
      %mul3A_346 = arith.constant 2.000000e+00 : f32
      %mul3A_347 = vector.broadcast %mul3A_346 : f32 to vector<16xf32>
      %mul3A_348 = arith.mulf %mul3A_347, %sub3A_345 : vector<16xf32>
      %mul3A_349 = vector.broadcast %scan3A_192 : f32 to vector<16xf32>
      %mul3A_350 = arith.mulf %mul3A_349, %mul3A_348 : vector<16xf32>
      %le3A_351 = arith.cmpf ole, %mul3A_342, %mul3A_350 : vector<16xf32>
      %and3A_352 = arith.andi %eq3A_332, %le3A_351 : vector<16xi1>
      %le3A_353 = vector.broadcast %scan3A_193 : f32 to vector<16xf32>
      %le3A_354 = arith.cmpf ole, %mul3A_342, %le3A_353 : vector<16xf32>
      %and3A_355 = arith.andi %and3A_352, %le3A_354 : vector<16xi1>
      %jit3A_356 = arith.constant -1 : i32
      %broadcast_in_dim3A_357 = vector.broadcast %jit3A_356 : i32 to vector<16xi32>
      %select_n3A_358 = arith.select %and3A_355, %get3A_327, %broadcast_in_dim3A_357 : vector<16xi1>, vector<16xi32>
      %swap3A_359 = arith.index_cast %mul3A_325 : i32 to index
      %swap3A_360 = tpu.vector_load %arg29[%swap3A_359] {strides = array<i32>} : memref<512xi32, #tpu.memory_space<vmem>>, vector<16xi32>,
      tpu.vector_store %arg29[%swap3A_359], %select_n3A_358 {strides = array<i32>} : memref<512xi32, #tpu.memory_space<vmem>>, vector<16xi32>,
      %add3A_361 = arith.constant 1.000000e+00 : f32
      %add3A_362 = vector.broadcast %add3A_361 : f32 to vector<16xf32>
      %add3A_363 = arith.addf %get3A_334, %add3A_362 : vector<16xf32>
      %mul3A_364 = arith.constant 5.000000e-01 : f32
      %mul3A_365 = vector.broadcast %mul3A_364 : f32 to vector<16xf32>
      %mul3A_366 = arith.mulf %add3A_363, %mul3A_365 : vector<16xf32>
      %jit3A_367 = arith.constant 0.000000e+00 : f32
      %broadcast_in_dim3A_368 = vector.broadcast %jit3A_367 : f32 to vector<16xf32>
      %select_n3A_369 = arith.select %and3A_355, %mul3A_366, %broadcast_in_dim3A_368 : vector<16xi1>, vector<16xf32>
      %swap3A_370 = arith.index_cast %mul3A_325 : i32 to index
      %swap3A_371 = tpu.vector_load %arg30[%swap3A_370] {strides = array<i32>} : memref<512xf32, #tpu.memory_space<vmem>>, vector<16xf32>,
      tpu.vector_store %arg30[%swap3A_370], %select_n3A_369 {strides = array<i32>} : memref<512xf32, #tpu.memory_space<vmem>>, vector<16xf32>,
      %jit3A_372 = arith.constant 0 : i32
      %jit3A_373 = arith.constant 2047 : i32
      %max3A_374 = vector.broadcast %jit3A_372 : i32 to vector<16xi32>
      %max3A_375 = arith.maxsi %max3A_374, %get3A_327 : vector<16xi32>
      %min3A_376 = vector.broadcast %jit3A_373 : i32 to vector<16xi32>
      %min3A_377 = arith.minsi %min3A_376, %max3A_375 : vector<16xi32>
      %mul3A_378 = arith.constant 3 : i32
      %mul3A_379 = vector.broadcast %mul3A_378 : i32 to vector<16xi32>
      %mul3A_380 = arith.muli %min3A_377, %mul3A_379 : vector<16xi32>
      %convert_element_type3A_381 = arith.extui %and3A_355 : vector<16xi1> to vector<16xi32>
      %convert_element_type3A_382 = arith.sitofp %convert_element_type3A_381 : vector<16xi32> to vector<16xf32>
      %add3A_383 = vector.broadcast %mul3A_325 : i32 to vector<16xi32>
      %add3A_384 = arith.addi %add3A_383, %iota3A_191 : vector<16xi32>
      %mul3A_385 = arith.constant 3 : i32
      %mul3A_386 = vector.broadcast %mul3A_385 : i32 to vector<16xi32>
      %mul3A_387 = arith.muli %add3A_384, %mul3A_386 : vector<16xi32>
      %add3A_388 = arith.constant 0 : i32
      %add3A_389 = vector.broadcast %add3A_388 : i32 to vector<16xi32>
      %add3A_390 = arith.addi %mul3A_380, %add3A_389 : vector<16xi32>
      %gather3A_391 = tpu.vector_load_idx %arg19[%add3A_390] : memref<6144xf32, #tpu.memory_space<vmem>>[vector<16xi32>], vector<16xf32>,
      %mul3A_392 = arith.mulf %gather3A_391, %convert_element_type3A_382 : vector<16xf32>
      %add3A_393 = arith.constant 0 : i32
      %add3A_394 = vector.broadcast %add3A_393 : i32 to vector<16xi32>
      %add3A_395 = arith.addi %mul3A_387, %add3A_394 : vector<16xi32>
      tpu.vector_store_idx %arg31[%add3A_395], %mul3A_392 : memref<1536xf32, #tpu.memory_space<vmem>>[vector<16xi32>], vector<16xf32>,
      %add3A_396 = arith.constant 1 : i32
      %add3A_397 = vector.broadcast %add3A_396 : i32 to vector<16xi32>
      %add3A_398 = arith.addi %mul3A_380, %add3A_397 : vector<16xi32>
      %gather3A_399 = tpu.vector_load_idx %arg19[%add3A_398] : memref<6144xf32, #tpu.memory_space<vmem>>[vector<16xi32>], vector<16xf32>,
      %mul3A_400 = arith.mulf %gather3A_399, %convert_element_type3A_382 : vector<16xf32>
      %add3A_401 = arith.constant 1 : i32
      %add3A_402 = vector.broadcast %add3A_401 : i32 to vector<16xi32>
      %add3A_403 = arith.addi %mul3A_387, %add3A_402 : vector<16xi32>
      tpu.vector_store_idx %arg31[%add3A_403], %mul3A_400 : memref<1536xf32, #tpu.memory_space<vmem>>[vector<16xi32>], vector<16xf32>,
      %add3A_404 = arith.constant 2 : i32
      %add3A_405 = vector.broadcast %add3A_404 : i32 to vector<16xi32>
      %add3A_406 = arith.addi %mul3A_380, %add3A_405 : vector<16xi32>
      %gather3A_407 = tpu.vector_load_idx %arg19[%add3A_406] : memref<6144xf32, #tpu.memory_space<vmem>>[vector<16xi32>], vector<16xf32>,
      %mul3A_408 = arith.mulf %gather3A_407, %convert_element_type3A_382 : vector<16xf32>
      %add3A_409 = arith.constant 2 : i32
      %add3A_410 = vector.broadcast %add3A_409 : i32 to vector<16xi32>
      %add3A_411 = arith.addi %mul3A_387, %add3A_410 : vector<16xi32>
      tpu.vector_store_idx %arg31[%add3A_411], %mul3A_408 : memref<1536xf32, #tpu.memory_space<vmem>>[vector<16xi32>], vector<16xf32>,
      %scan3A_412 = arith.constant 0 : i32
      %scan3A_413 = arith.constant 2 : i32
      %scan3A_414 = arith.addi %scan3A_239, %scan3A_413 : i32
      %mul3A_415 = arith.constant 16 : i32
      %mul3A_416 = arith.muli %scan3A_414, %mul3A_415 : i32
      %get3A_417 = arith.index_cast %mul3A_416 : i32 to index
      %get3A_418 = tpu.vector_load %arg26[%get3A_417] {strides = array<i32>} : memref<512xi32, #tpu.memory_space<vmem>>, vector<16xi32>,
      %gather3A_419 = tpu.vector_load_idx %arg18[%get3A_418] : memref<2048xi32, #tpu.memory_space<vmem>>[vector<16xi32>], vector<16xi32>,
      %add3A_420 = arith.addi %mul3A_74, %mul3A_416 : i32
      %add3A_421 = vector.broadcast %add3A_420 : i32 to vector<16xi32>
      %add3A_422 = arith.addi %add3A_421, %iota3A_191 : vector<16xi32>
      %eq3A_423 = arith.cmpi eq, %gather3A_419, %add3A_422 : vector<16xi32>
      %get3A_424 = arith.index_cast %mul3A_416 : i32 to index
      %get3A_425 = tpu.vector_load %arg27[%get3A_424] {strides = array<i32>} : memref<512xf32, #tpu.memory_space<vmem>>, vector<16xf32>,
      %get3A_426 = arith.index_cast %mul3A_416 : i32 to index
      %get3A_427 = tpu.vector_load %arg28[%get3A_426] {strides = array<i32>} : memref<512xf32, #tpu.memory_space<vmem>>, vector<16xf32>,
      %sub3A_428 = arith.constant 1.000000e+00 : f32
      %sub3A_429 = vector.broadcast %sub3A_428 : f32 to vector<16xf32>
      %sub3A_430 = arith.subf %sub3A_429, %get3A_425 : vector<16xf32>
      %mul3A_431 = arith.constant 2.000000e+00 : f32
      %mul3A_432 = vector.broadcast %mul3A_431 : f32 to vector<16xf32>
      %mul3A_433 = arith.mulf %mul3A_432, %sub3A_430 : vector<16xf32>
      %sub3A_434 = arith.constant 1.000000e+00 : f32
      %sub3A_435 = vector.broadcast %sub3A_434 : f32 to vector<16xf32>
      %sub3A_436 = arith.subf %sub3A_435, %get3A_427 : vector<16xf32>
      %mul3A_437 = arith.constant 2.000000e+00 : f32
      %mul3A_438 = vector.broadcast %mul3A_437 : f32 to vector<16xf32>
      %mul3A_439 = arith.mulf %mul3A_438, %sub3A_436 : vector<16xf32>
      %mul3A_440 = vector.broadcast %scan3A_192 : f32 to vector<16xf32>
      %mul3A_441 = arith.mulf %mul3A_440, %mul3A_439 : vector<16xf32>
      %le3A_442 = arith.cmpf ole, %mul3A_433, %mul3A_441 : vector<16xf32>
      %and3A_443 = arith.andi %eq3A_423, %le3A_442 : vector<16xi1>
      %le3A_444 = vector.broadcast %scan3A_193 : f32 to vector<16xf32>
      %le3A_445 = arith.cmpf ole, %mul3A_433, %le3A_444 : vector<16xf32>
      %and3A_446 = arith.andi %and3A_443, %le3A_445 : vector<16xi1>
      %jit3A_447 = arith.constant -1 : i32
      %broadcast_in_dim3A_448 = vector.broadcast %jit3A_447 : i32 to vector<16xi32>
      %select_n3A_449 = arith.select %and3A_446, %get3A_418, %broadcast_in_dim3A_448 : vector<16xi1>, vector<16xi32>
      %swap3A_450 = arith.index_cast %mul3A_416 : i32 to index
      %swap3A_451 = tpu.vector_load %arg29[%swap3A_450] {strides = array<i32>} : memref<512xi32, #tpu.memory_space<vmem>>, vector<16xi32>,
      tpu.vector_store %arg29[%swap3A_450], %select_n3A_449 {strides = array<i32>} : memref<512xi32, #tpu.memory_space<vmem>>, vector<16xi32>,
      %add3A_452 = arith.constant 1.000000e+00 : f32
      %add3A_453 = vector.broadcast %add3A_452 : f32 to vector<16xf32>
      %add3A_454 = arith.addf %get3A_425, %add3A_453 : vector<16xf32>
      %mul3A_455 = arith.constant 5.000000e-01 : f32
      %mul3A_456 = vector.broadcast %mul3A_455 : f32 to vector<16xf32>
      %mul3A_457 = arith.mulf %add3A_454, %mul3A_456 : vector<16xf32>
      %jit3A_458 = arith.constant 0.000000e+00 : f32
      %broadcast_in_dim3A_459 = vector.broadcast %jit3A_458 : f32 to vector<16xf32>
      %select_n3A_460 = arith.select %and3A_446, %mul3A_457, %broadcast_in_dim3A_459 : vector<16xi1>, vector<16xf32>
      %swap3A_461 = arith.index_cast %mul3A_416 : i32 to index
      %swap3A_462 = tpu.vector_load %arg30[%swap3A_461] {strides = array<i32>} : memref<512xf32, #tpu.memory_space<vmem>>, vector<16xf32>,
      tpu.vector_store %arg30[%swap3A_461], %select_n3A_460 {strides = array<i32>} : memref<512xf32, #tpu.memory_space<vmem>>, vector<16xf32>,
      %jit3A_463 = arith.constant 0 : i32
      %jit3A_464 = arith.constant 2047 : i32
      %max3A_465 = vector.broadcast %jit3A_463 : i32 to vector<16xi32>
      %max3A_466 = arith.maxsi %max3A_465, %get3A_418 : vector<16xi32>
      %min3A_467 = vector.broadcast %jit3A_464 : i32 to vector<16xi32>
      %min3A_468 = arith.minsi %min3A_467, %max3A_466 : vector<16xi32>
      %mul3A_469 = arith.constant 3 : i32
      %mul3A_470 = vector.broadcast %mul3A_469 : i32 to vector<16xi32>
      %mul3A_471 = arith.muli %min3A_468, %mul3A_470 : vector<16xi32>
      %convert_element_type3A_472 = arith.extui %and3A_446 : vector<16xi1> to vector<16xi32>
      %convert_element_type3A_473 = arith.sitofp %convert_element_type3A_472 : vector<16xi32> to vector<16xf32>
      %add3A_474 = vector.broadcast %mul3A_416 : i32 to vector<16xi32>
      %add3A_475 = arith.addi %add3A_474, %iota3A_191 : vector<16xi32>
      %mul3A_476 = arith.constant 3 : i32
      %mul3A_477 = vector.broadcast %mul3A_476 : i32 to vector<16xi32>
      %mul3A_478 = arith.muli %add3A_475, %mul3A_477 : vector<16xi32>
      %add3A_479 = arith.constant 0 : i32
      %add3A_480 = vector.broadcast %add3A_479 : i32 to vector<16xi32>
      %add3A_481 = arith.addi %mul3A_471, %add3A_480 : vector<16xi32>
      %gather3A_482 = tpu.vector_load_idx %arg19[%add3A_481] : memref<6144xf32, #tpu.memory_space<vmem>>[vector<16xi32>], vector<16xf32>,
      %mul3A_483 = arith.mulf %gather3A_482, %convert_element_type3A_473 : vector<16xf32>
      %add3A_484 = arith.constant 0 : i32
      %add3A_485 = vector.broadcast %add3A_484 : i32 to vector<16xi32>
      %add3A_486 = arith.addi %mul3A_478, %add3A_485 : vector<16xi32>
      tpu.vector_store_idx %arg31[%add3A_486], %mul3A_483 : memref<1536xf32, #tpu.memory_space<vmem>>[vector<16xi32>], vector<16xf32>,
      %add3A_487 = arith.constant 1 : i32
      %add3A_488 = vector.broadcast %add3A_487 : i32 to vector<16xi32>
      %add3A_489 = arith.addi %mul3A_471, %add3A_488 : vector<16xi32>
      %gather3A_490 = tpu.vector_load_idx %arg19[%add3A_489] : memref<6144xf32, #tpu.memory_space<vmem>>[vector<16xi32>], vector<16xf32>,
      %mul3A_491 = arith.mulf %gather3A_490, %convert_element_type3A_473 : vector<16xf32>
      %add3A_492 = arith.constant 1 : i32
      %add3A_493 = vector.broadcast %add3A_492 : i32 to vector<16xi32>
      %add3A_494 = arith.addi %mul3A_478, %add3A_493 : vector<16xi32>
      tpu.vector_store_idx %arg31[%add3A_494], %mul3A_491 : memref<1536xf32, #tpu.memory_space<vmem>>[vector<16xi32>], vector<16xf32>,
      %add3A_495 = arith.constant 2 : i32
      %add3A_496 = vector.broadcast %add3A_495 : i32 to vector<16xi32>
      %add3A_497 = arith.addi %mul3A_471, %add3A_496 : vector<16xi32>
      %gather3A_498 = tpu.vector_load_idx %arg19[%add3A_497] : memref<6144xf32, #tpu.memory_space<vmem>>[vector<16xi32>], vector<16xf32>,
      %mul3A_499 = arith.mulf %gather3A_498, %convert_element_type3A_473 : vector<16xf32>
      %add3A_500 = arith.constant 2 : i32
      %add3A_501 = vector.broadcast %add3A_500 : i32 to vector<16xi32>
      %add3A_502 = arith.addi %mul3A_478, %add3A_501 : vector<16xi32>
      tpu.vector_store_idx %arg31[%add3A_502], %mul3A_499 : memref<1536xf32, #tpu.memory_space<vmem>>[vector<16xi32>], vector<16xf32>,
      %scan3A_503 = arith.constant 0 : i32
      %scan3A_504 = arith.constant 3 : i32
      %scan3A_505 = arith.addi %scan3A_239, %scan3A_504 : i32
      %mul3A_506 = arith.constant 16 : i32
      %mul3A_507 = arith.muli %scan3A_505, %mul3A_506 : i32
      %get3A_508 = arith.index_cast %mul3A_507 : i32 to index
      %get3A_509 = tpu.vector_load %arg26[%get3A_508] {strides = array<i32>} : memref<512xi32, #tpu.memory_space<vmem>>, vector<16xi32>,
      %gather3A_510 = tpu.vector_load_idx %arg18[%get3A_509] : memref<2048xi32, #tpu.memory_space<vmem>>[vector<16xi32>], vector<16xi32>,
      %add3A_511 = arith.addi %mul3A_74, %mul3A_507 : i32
      %add3A_512 = vector.broadcast %add3A_511 : i32 to vector<16xi32>
      %add3A_513 = arith.addi %add3A_512, %iota3A_191 : vector<16xi32>
      %eq3A_514 = arith.cmpi eq, %gather3A_510, %add3A_513 : vector<16xi32>
      %get3A_515 = arith.index_cast %mul3A_507 : i32 to index
      %get3A_516 = tpu.vector_load %arg27[%get3A_515] {strides = array<i32>} : memref<512xf32, #tpu.memory_space<vmem>>, vector<16xf32>,
      %get3A_517 = arith.index_cast %mul3A_507 : i32 to index
      %get3A_518 = tpu.vector_load %arg28[%get3A_517] {strides = array<i32>} : memref<512xf32, #tpu.memory_space<vmem>>, vector<16xf32>,
      %sub3A_519 = arith.constant 1.000000e+00 : f32
      %sub3A_520 = vector.broadcast %sub3A_519 : f32 to vector<16xf32>
      %sub3A_521 = arith.subf %sub3A_520, %get3A_516 : vector<16xf32>
      %mul3A_522 = arith.constant 2.000000e+00 : f32
      %mul3A_523 = vector.broadcast %mul3A_522 : f32 to vector<16xf32>
      %mul3A_524 = arith.mulf %mul3A_523, %sub3A_521 : vector<16xf32>
      %sub3A_525 = arith.constant 1.000000e+00 : f32
      %sub3A_526 = vector.broadcast %sub3A_525 : f32 to vector<16xf32>
      %sub3A_527 = arith.subf %sub3A_526, %get3A_518 : vector<16xf32>
      %mul3A_528 = arith.constant 2.000000e+00 : f32
      %mul3A_529 = vector.broadcast %mul3A_528 : f32 to vector<16xf32>
      %mul3A_530 = arith.mulf %mul3A_529, %sub3A_527 : vector<16xf32>
      %mul3A_531 = vector.broadcast %scan3A_192 : f32 to vector<16xf32>
      %mul3A_532 = arith.mulf %mul3A_531, %mul3A_530 : vector<16xf32>
      %le3A_533 = arith.cmpf ole, %mul3A_524, %mul3A_532 : vector<16xf32>
      %and3A_534 = arith.andi %eq3A_514, %le3A_533 : vector<16xi1>
      %le3A_535 = vector.broadcast %scan3A_193 : f32 to vector<16xf32>
      %le3A_536 = arith.cmpf ole, %mul3A_524, %le3A_535 : vector<16xf32>
      %and3A_537 = arith.andi %and3A_534, %le3A_536 : vector<16xi1>
      %jit3A_538 = arith.constant -1 : i32
      %broadcast_in_dim3A_539 = vector.broadcast %jit3A_538 : i32 to vector<16xi32>
      %select_n3A_540 = arith.select %and3A_537, %get3A_509, %broadcast_in_dim3A_539 : vector<16xi1>, vector<16xi32>
      %swap3A_541 = arith.index_cast %mul3A_507 : i32 to index
      %swap3A_542 = tpu.vector_load %arg29[%swap3A_541] {strides = array<i32>} : memref<512xi32, #tpu.memory_space<vmem>>, vector<16xi32>,
      tpu.vector_store %arg29[%swap3A_541], %select_n3A_540 {strides = array<i32>} : memref<512xi32, #tpu.memory_space<vmem>>, vector<16xi32>,
      %add3A_543 = arith.constant 1.000000e+00 : f32
      %add3A_544 = vector.broadcast %add3A_543 : f32 to vector<16xf32>
      %add3A_545 = arith.addf %get3A_516, %add3A_544 : vector<16xf32>
      %mul3A_546 = arith.constant 5.000000e-01 : f32
      %mul3A_547 = vector.broadcast %mul3A_546 : f32 to vector<16xf32>
      %mul3A_548 = arith.mulf %add3A_545, %mul3A_547 : vector<16xf32>
      %jit3A_549 = arith.constant 0.000000e+00 : f32
      %broadcast_in_dim3A_550 = vector.broadcast %jit3A_549 : f32 to vector<16xf32>
      %select_n3A_551 = arith.select %and3A_537, %mul3A_548, %broadcast_in_dim3A_550 : vector<16xi1>, vector<16xf32>
      %swap3A_552 = arith.index_cast %mul3A_507 : i32 to index
      %swap3A_553 = tpu.vector_load %arg30[%swap3A_552] {strides = array<i32>} : memref<512xf32, #tpu.memory_space<vmem>>, vector<16xf32>,
      tpu.vector_store %arg30[%swap3A_552], %select_n3A_551 {strides = array<i32>} : memref<512xf32, #tpu.memory_space<vmem>>, vector<16xf32>,
      %jit3A_554 = arith.constant 0 : i32
      %jit3A_555 = arith.constant 2047 : i32
      %max3A_556 = vector.broadcast %jit3A_554 : i32 to vector<16xi32>
      %max3A_557 = arith.maxsi %max3A_556, %get3A_509 : vector<16xi32>
      %min3A_558 = vector.broadcast %jit3A_555 : i32 to vector<16xi32>
      %min3A_559 = arith.minsi %min3A_558, %max3A_557 : vector<16xi32>
      %mul3A_560 = arith.constant 3 : i32
      %mul3A_561 = vector.broadcast %mul3A_560 : i32 to vector<16xi32>
      %mul3A_562 = arith.muli %min3A_559, %mul3A_561 : vector<16xi32>
      %convert_element_type3A_563 = arith.extui %and3A_537 : vector<16xi1> to vector<16xi32>
      %convert_element_type3A_564 = arith.sitofp %convert_element_type3A_563 : vector<16xi32> to vector<16xf32>
      %add3A_565 = vector.broadcast %mul3A_507 : i32 to vector<16xi32>
      %add3A_566 = arith.addi %add3A_565, %iota3A_191 : vector<16xi32>
      %mul3A_567 = arith.constant 3 : i32
      %mul3A_568 = vector.broadcast %mul3A_567 : i32 to vector<16xi32>
      %mul3A_569 = arith.muli %add3A_566, %mul3A_568 : vector<16xi32>
      %add3A_570 = arith.constant 0 : i32
      %add3A_571 = vector.broadcast %add3A_570 : i32 to vector<16xi32>
      %add3A_572 = arith.addi %mul3A_562, %add3A_571 : vector<16xi32>
      %gather3A_573 = tpu.vector_load_idx %arg19[%add3A_572] : memref<6144xf32, #tpu.memory_space<vmem>>[vector<16xi32>], vector<16xf32>,
      %mul3A_574 = arith.mulf %gather3A_573, %convert_element_type3A_564 : vector<16xf32>
      %add3A_575 = arith.constant 0 : i32
      %add3A_576 = vector.broadcast %add3A_575 : i32 to vector<16xi32>
      %add3A_577 = arith.addi %mul3A_569, %add3A_576 : vector<16xi32>
      tpu.vector_store_idx %arg31[%add3A_577], %mul3A_574 : memref<1536xf32, #tpu.memory_space<vmem>>[vector<16xi32>], vector<16xf32>,
      %add3A_578 = arith.constant 1 : i32
      %add3A_579 = vector.broadcast %add3A_578 : i32 to vector<16xi32>
      %add3A_580 = arith.addi %mul3A_562, %add3A_579 : vector<16xi32>
      %gather3A_581 = tpu.vector_load_idx %arg19[%add3A_580] : memref<6144xf32, #tpu.memory_space<vmem>>[vector<16xi32>], vector<16xf32>,
      %mul3A_582 = arith.mulf %gather3A_581, %convert_element_type3A_564 : vector<16xf32>
      %add3A_583 = arith.constant 1 : i32
      %add3A_584 = vector.broadcast %add3A_583 : i32 to vector<16xi32>
      %add3A_585 = arith.addi %mul3A_569, %add3A_584 : vector<16xi32>
      tpu.vector_store_idx %arg31[%add3A_585], %mul3A_582 : memref<1536xf32, #tpu.memory_space<vmem>>[vector<16xi32>], vector<16xf32>,
      %add3A_586 = arith.constant 2 : i32
      %add3A_587 = vector.broadcast %add3A_586 : i32 to vector<16xi32>
      %add3A_588 = arith.addi %mul3A_562, %add3A_587 : vector<16xi32>
      %gather3A_589 = tpu.vector_load_idx %arg19[%add3A_588] : memref<6144xf32, #tpu.memory_space<vmem>>[vector<16xi32>], vector<16xf32>,
      %mul3A_590 = arith.mulf %gather3A_589, %convert_element_type3A_564 : vector<16xf32>
      %add3A_591 = arith.constant 2 : i32
      %add3A_592 = vector.broadcast %add3A_591 : i32 to vector<16xi32>
      %add3A_593 = arith.addi %mul3A_569, %add3A_592 : vector<16xi32>
      tpu.vector_store_idx %arg31[%add3A_593], %mul3A_590 : memref<1536xf32, #tpu.memory_space<vmem>>[vector<16xi32>], vector<16xf32>,
      %scan3A_594 = arith.constant 0 : i32
      scf.yield %scan3A_594 : i32
    }
    %scan3A_200 = arith.constant 32 : i32
    %dma_start3A_201 = tpu.memref_slice %arg11[%select_n3A_56, %mul3A_74] : memref<8x2048xi32, #tpu.memory_space<hbm>> -> memref<1x512xi32, #tpu.memory_space<hbm>>
    %dma_start3A_202 = tpu.memref_squeeze %dma_start3A_201 : memref<1x512xi32, #tpu.memory_space<hbm>> -> memref<512xi32, #tpu.memory_space<hbm>>
    %dma_start3A_203 = tpu.memref_slice %arg11[%select_n3A_56, %mul3A_74] : memref<8x2048xi32, #tpu.memory_space<hbm>> -> memref<1x512xi32, #tpu.memory_space<hbm>>
    %dma_start3A_204 = tpu.memref_squeeze %dma_start3A_203 : memref<1x512xi32, #tpu.memory_space<hbm>> -> memref<512xi32, #tpu.memory_space<hbm>>
    tpu.enqueue_dma source(%arg29 : memref<512xi32, #tpu.memory_space<vmem>>) target(%dma_start3A_204 : memref<512xi32, #tpu.memory_space<hbm>>) target_semaphore(%arg33 : memref<!tpu.dma_semaphore, #tpu.memory_space<semaphore_mem>>)
    %dma_start3A_205 = tpu.memref_slice %arg13[%select_n3A_56, %mul3A_74] : memref<8x2048xf32, #tpu.memory_space<hbm>> -> memref<1x512xf32, #tpu.memory_space<hbm>>
    %dma_start3A_206 = tpu.memref_squeeze %dma_start3A_205 : memref<1x512xf32, #tpu.memory_space<hbm>> -> memref<512xf32, #tpu.memory_space<hbm>>
    %dma_start3A_207 = tpu.memref_slice %arg13[%select_n3A_56, %mul3A_74] : memref<8x2048xf32, #tpu.memory_space<hbm>> -> memref<1x512xf32, #tpu.memory_space<hbm>>
    %dma_start3A_208 = tpu.memref_squeeze %dma_start3A_207 : memref<1x512xf32, #tpu.memory_space<hbm>> -> memref<512xf32, #tpu.memory_space<hbm>>
    tpu.enqueue_dma source(%arg30 : memref<512xf32, #tpu.memory_space<vmem>>) target(%dma_start3A_208 : memref<512xf32, #tpu.memory_space<hbm>>) target_semaphore(%arg33 : memref<!tpu.dma_semaphore, #tpu.memory_space<semaphore_mem>>)
    %mul3A_209 = arith.constant 3 : i32
    %mul3A_210 = arith.muli %mul3A_74, %mul3A_209 : i32
    %dma_start3A_211 = tpu.memref_slice %arg14[%select_n3A_56, %mul3A_210] : memref<8x6144xf32, #tpu.memory_space<hbm>> -> memref<1x1536xf32, #tpu.memory_space<hbm>>
    %dma_start3A_212 = tpu.memref_squeeze %dma_start3A_211 : memref<1x1536xf32, #tpu.memory_space<hbm>> -> memref<1536xf32, #tpu.memory_space<hbm>>
    %dma_start3A_213 = tpu.memref_slice %arg14[%select_n3A_56, %mul3A_210] : memref<8x6144xf32, #tpu.memory_space<hbm>> -> memref<1x1536xf32, #tpu.memory_space<hbm>>
    %dma_start3A_214 = tpu.memref_squeeze %dma_start3A_213 : memref<1x1536xf32, #tpu.memory_space<hbm>> -> memref<1536xf32, #tpu.memory_space<hbm>>
    tpu.enqueue_dma source(%arg31 : memref<1536xf32, #tpu.memory_space<vmem>>) target(%dma_start3A_214 : memref<1536xf32, #tpu.memory_space<hbm>>) target_semaphore(%arg33 : memref<!tpu.dma_semaphore, #tpu.memory_space<semaphore_mem>>)
    %dma_wait3A_215 = tpu.memref_slice %arg10[%select_n3A, %mul3A_32] : memref<8x2048xi32, #tpu.memory_space<hbm>> -> memref<1x512xi32, #tpu.memory_space<hbm>>
    %dma_wait3A_216 = tpu.memref_squeeze %dma_wait3A_215 : memref<1x512xi32, #tpu.memory_space<hbm>> -> memref<512xi32, #tpu.memory_space<hbm>>
    %dma_wait3A_217 = tpu.memref_slice %arg10[%select_n3A, %mul3A_32] : memref<8x2048xi32, #tpu.memory_space<hbm>> -> memref<1x512xi32, #tpu.memory_space<hbm>>
    %dma_wait3A_218 = tpu.memref_squeeze %dma_wait3A_217 : memref<1x512xi32, #tpu.memory_space<hbm>> -> memref<512xi32, #tpu.memory_space<hbm>>
    tpu.wait_dma2 semaphore(%arg33 : memref<!tpu.dma_semaphore, #tpu.memory_space<semaphore_mem>>) src(%arg23 : memref<512xi32, #tpu.memory_space<vmem>>) dst(%dma_wait3A_218 : memref<512xi32, #tpu.memory_space<hbm>>)
    %dma_wait3A_219 = tpu.memref_slice %arg12[%select_n3A, %mul3A_32] : memref<8x2048xf32, #tpu.memory_space<hbm>> -> memref<1x512xf32, #tpu.memory_space<hbm>>
    %dma_wait3A_220 = tpu.memref_squeeze %dma_wait3A_219 : memref<1x512xf32, #tpu.memory_space<hbm>> -> memref<512xf32, #tpu.memory_space<hbm>>
    %dma_wait3A_221 = tpu.memref_slice %arg12[%select_n3A, %mul3A_32] : memref<8x2048xf32, #tpu.memory_space<hbm>> -> memref<1x512xf32, #tpu.memory_space<hbm>>
    %dma_wait3A_222 = tpu.memref_squeeze %dma_wait3A_221 : memref<1x512xf32, #tpu.memory_space<hbm>> -> memref<512xf32, #tpu.memory_space<hbm>>
    tpu.wait_dma2 semaphore(%arg33 : memref<!tpu.dma_semaphore, #tpu.memory_space<semaphore_mem>>) src(%arg24 : memref<512xf32, #tpu.memory_space<vmem>>) dst(%dma_wait3A_222 : memref<512xf32, #tpu.memory_space<hbm>>)
    %dma_wait3A_223 = tpu.memref_slice %arg15[%select_n3A, %mul3A_186] : memref<8x6144xf32, #tpu.memory_space<hbm>> -> memref<1x1536xf32, #tpu.memory_space<hbm>>
    %dma_wait3A_224 = tpu.memref_squeeze %dma_wait3A_223 : memref<1x1536xf32, #tpu.memory_space<hbm>> -> memref<1536xf32, #tpu.memory_space<hbm>>
    %dma_wait3A_225 = tpu.memref_slice %arg15[%select_n3A, %mul3A_186] : memref<8x6144xf32, #tpu.memory_space<hbm>> -> memref<1x1536xf32, #tpu.memory_space<hbm>>
    %dma_wait3A_226 = tpu.memref_squeeze %dma_wait3A_225 : memref<1x1536xf32, #tpu.memory_space<hbm>> -> memref<1536xf32, #tpu.memory_space<hbm>>
    tpu.wait_dma2 semaphore(%arg33 : memref<!tpu.dma_semaphore, #tpu.memory_space<semaphore_mem>>) src(%arg25 : memref<1536xf32, #tpu.memory_space<vmem>>) dst(%dma_wait3A_226 : memref<1536xf32, #tpu.memory_space<hbm>>)
    %dma_wait3A_227 = tpu.memref_slice %arg11[%select_n3A_56, %mul3A_74] : memref<8x2048xi32, #tpu.memory_space<hbm>> -> memref<1x512xi32, #tpu.memory_space<hbm>>
    %dma_wait3A_228 = tpu.memref_squeeze %dma_wait3A_227 : memref<1x512xi32, #tpu.memory_space<hbm>> -> memref<512xi32, #tpu.memory_space<hbm>>
    %dma_wait3A_229 = tpu.memref_slice %arg11[%select_n3A_56, %mul3A_74] : memref<8x2048xi32, #tpu.memory_space<hbm>> -> memref<1x512xi32, #tpu.memory_space<hbm>>
    %dma_wait3A_230 = tpu.memref_squeeze %dma_wait3A_229 : memref<1x512xi32, #tpu.memory_space<hbm>> -> memref<512xi32, #tpu.memory_space<hbm>>
    tpu.wait_dma2 semaphore(%arg33 : memref<!tpu.dma_semaphore, #tpu.memory_space<semaphore_mem>>) src(%arg29 : memref<512xi32, #tpu.memory_space<vmem>>) dst(%dma_wait3A_230 : memref<512xi32, #tpu.memory_space<hbm>>)
    %dma_wait3A_231 = tpu.memref_slice %arg13[%select_n3A_56, %mul3A_74] : memref<8x2048xf32, #tpu.memory_space<hbm>> -> memref<1x512xf32, #tpu.memory_space<hbm>>
    %dma_wait3A_232 = tpu.memref_squeeze %dma_wait3A_231 : memref<1x512xf32, #tpu.memory_space<hbm>> -> memref<512xf32, #tpu.memory_space<hbm>>
    %dma_wait3A_233 = tpu.memref_slice %arg13[%select_n3A_56, %mul3A_74] : memref<8x2048xf32, #tpu.memory_space<hbm>> -> memref<1x512xf32, #tpu.memory_space<hbm>>
    %dma_wait3A_234 = tpu.memref_squeeze %dma_wait3A_233 : memref<1x512xf32, #tpu.memory_space<hbm>> -> memref<512xf32, #tpu.memory_space<hbm>>
    tpu.wait_dma2 semaphore(%arg33 : memref<!tpu.dma_semaphore, #tpu.memory_space<semaphore_mem>>) src(%arg30 : memref<512xf32, #tpu.memory_space<vmem>>) dst(%dma_wait3A_234 : memref<512xf32, #tpu.memory_space<hbm>>)
    %dma_wait3A_235 = tpu.memref_slice %arg14[%select_n3A_56, %mul3A_210] : memref<8x6144xf32, #tpu.memory_space<hbm>> -> memref<1x1536xf32, #tpu.memory_space<hbm>>
    %dma_wait3A_236 = tpu.memref_squeeze %dma_wait3A_235 : memref<1x1536xf32, #tpu.memory_space<hbm>> -> memref<1536xf32, #tpu.memory_space<hbm>>
    %dma_wait3A_237 = tpu.memref_slice %arg14[%select_n3A_56, %mul3A_210] : memref<8x6144xf32, #tpu.memory_space<hbm>> -> memref<1x1536xf32, #tpu.memory_space<hbm>>
    %dma_wait3A_238 = tpu.memref_squeeze %dma_wait3A_237 : memref<1x1536xf32, #tpu.memory_space<hbm>> -> memref<1536xf32, #tpu.memory_space<hbm>>
    tpu.wait_dma2 semaphore(%arg33 : memref<!tpu.dma_semaphore, #tpu.memory_space<semaphore_mem>>) src(%arg31 : memref<1536xf32, #tpu.memory_space<vmem>>) dst(%dma_wait3A_238 : memref<1536xf32, #tpu.memory_space<hbm>>)
    return
  }
}

module attributes {stable_mosaic.version = 14 : i64} {
  func.func @_tc_body(%arg0: i32, %arg1: i32, %arg2: memref<1x256x128xf32, #tpu.memory_space<vmem>>, %arg3: memref<1x2048x128xf32, #tpu.memory_space<vmem>>, %arg4: memref<1x256x2048xf32, #tpu.memory_space<vmem>>, %arg5: memref<1x1x256x1xi32, #tpu.memory_space<vmem>>, %arg6: memref<1x1x256x1xf32, #tpu.memory_space<vmem>>, %arg7: memref<1x1x256x1xf32, #tpu.memory_space<vmem>>, %arg8: memref<1x1x2048xi32, #tpu.memory_space<vmem>>, %arg9: memref<1x1x2048xf32, #tpu.memory_space<vmem>>, %arg10: memref<1x1x2048xf32, #tpu.memory_space<vmem>>, %arg11: memref<2048x128xf32, #tpu.memory_space<vmem>>, %arg12: memref<1x2048xf32, #tpu.memory_space<vmem>>, %arg13: memref<1x2048xi32, #tpu.memory_space<vmem>>, %arg14: memref<1x2048xf32, #tpu.memory_space<vmem>>) attributes {dimension_semantics = [#tpu.dimension_semantics<arbitrary>, #tpu.dimension_semantics<arbitrary>], iteration_bounds = array<i64: 8, 8>, scalar_prefetch = 0 : i64, scratch_operands = 4 : i64, tpu.core_type = #tpu.core_type<tc>, window_params = [{transform_indices = @transform_0, window_bounds = array<i64: 1, 256, 128>}, {transform_indices = @transform_1, window_bounds = array<i64: 1, 2048, 128>}, {transform_indices = @transform_2, window_bounds = array<i64: 1, 256, 2048>}, {transform_indices = @transform_3, window_bounds = array<i64: 1, 1, 256, 1>}, {transform_indices = @transform_4, window_bounds = array<i64: 1, 1, 256, 1>}, {transform_indices = @transform_5, window_bounds = array<i64: 1, 1, 256, 1>}, {transform_indices = @transform_6, window_bounds = array<i64: 1, 1, 2048>}, {transform_indices = @transform_7, window_bounds = array<i64: 1, 1, 2048>}, {transform_indices = @transform_8, window_bounds = array<i64: 1, 1, 2048>}]} {
    %eq3A = arith.constant 0 : i32
    %eq3A_0 = arith.cmpi eq, %arg1, %eq3A : i32
    %convert_element_type3A = arith.extui %eq3A_0 : i1 to i32
    %cond3A = arith.constant 0 : i32
    %cond3A_1 = arith.cmpi ne, %convert_element_type3A, %cond3A : i32
    scf.if %cond3A_1 {
      %get3A_147 = arith.constant 0 : index
      %get3A_148 = arith.constant 0 : index
      %get3A_149 = arith.constant 0 : index
      %get3A_150 = vector.load %arg3[%get3A_147, %get3A_148, %get3A_149] : memref<1x2048x128xf32, #tpu.memory_space<vmem>>, vector<1x2048x128xf32>
      %get3A_151 = vector.shape_cast %get3A_150 : vector<1x2048x128xf32> to vector<2048x128xf32>
      %mul3A_152 = arith.mulf %get3A_151, %get3A_151 : vector<2048x128xf32>
      %reduce_sum3A_153 = arith.constant dense<0.000000e+00> : vector<2048xf32>
      %reduce_sum3A_154 = vector.multi_reduction <add>, %mul3A_152, %reduce_sum3A_153 [1] : vector<2048x128xf32> to vector<2048xf32>
      %broadcast_in_dim3A_155 = vector.shape_cast %reduce_sum3A_154 : vector<2048xf32> to vector<2048x1xf32>
      %sqrt3A_156 = math.sqrt %broadcast_in_dim3A_155 : vector<2048x1xf32>
      %max3A_157 = arith.constant 9.99999996E-13 : f32
      %max3A_158 = vector.broadcast %max3A_157 : f32 to vector<2048x1xf32>
      %max3A_159 = arith.maximumf %sqrt3A_156, %max3A_158 : vector<2048x1xf32>
      %div3A_160 = vector.broadcast %max3A_159 : vector<2048x1xf32> to vector<2048x128xf32>
      %div3A_161 = arith.divf %get3A_151, %div3A_160 : vector<2048x128xf32>
      %swap3A_162 = arith.constant 0 : index
      %swap3A_163 = arith.constant 0 : index
      %swap3A_164 = vector.load %arg11[%swap3A_162, %swap3A_163] : memref<2048x128xf32, #tpu.memory_space<vmem>>, vector<2048x128xf32>
      tpu.vector_store %arg11[%swap3A_162, %swap3A_163], %div3A_161 {strides = array<i32>} : memref<2048x128xf32, #tpu.memory_space<vmem>>, vector<2048x128xf32>,
    } else {
    }
    %get3A = arith.constant 0 : index
    %get3A_2 = arith.constant 0 : index
    %get3A_3 = arith.constant 0 : index
    %get3A_4 = vector.load %arg2[%get3A, %get3A_2, %get3A_3] : memref<1x256x128xf32, #tpu.memory_space<vmem>>, vector<1x256x128xf32>
    %get3A_5 = vector.shape_cast %get3A_4 : vector<1x256x128xf32> to vector<256x128xf32>
    %mul3A = arith.mulf %get3A_5, %get3A_5 : vector<256x128xf32>
    %reduce_sum3A = arith.constant dense<0.000000e+00> : vector<256xf32>
    %reduce_sum3A_6 = vector.multi_reduction <add>, %mul3A, %reduce_sum3A [1] : vector<256x128xf32> to vector<256xf32>
    %broadcast_in_dim3A = vector.shape_cast %reduce_sum3A_6 : vector<256xf32> to vector<256x1xf32>
    %sqrt3A = math.sqrt %broadcast_in_dim3A : vector<256x1xf32>
    %max3A = arith.constant 9.99999996E-13 : f32
    %max3A_7 = vector.broadcast %max3A : f32 to vector<256x1xf32>
    %max3A_8 = arith.maximumf %sqrt3A, %max3A_7 : vector<256x1xf32>
    %div3A = vector.broadcast %max3A_8 : vector<256x1xf32> to vector<256x128xf32>
    %div3A_9 = arith.divf %get3A_5, %div3A : vector<256x128xf32>
    %get3A_10 = arith.constant 0 : index
    %get3A_11 = arith.constant 0 : index
    %get3A_12 = vector.load %arg11[%get3A_10, %get3A_11] : memref<2048x128xf32, #tpu.memory_space<vmem>>, vector<2048x128xf32>
    %dot_general3A = arith.constant dense<0.000000e+00> : vector<256x2048xf32>
    %dot_general3A_13 = tpu.matmul %div3A_9, %get3A_12, %dot_general3A {dimension_numbers = #tpu.dot_dimension_numbers<[1], [1], [0], [0], [0, 0, 1, 0], [], []>, transpose_lhs_hint = false} : vector<256x128xf32>, vector<2048x128xf32>, vector<256x2048xf32> -> vector<256x2048xf32>
    %swap3A = arith.constant 0 : index
    %swap3A_14 = arith.constant 0 : index
    %swap3A_15 = arith.constant 0 : index
    %swap3A_16 = vector.load %arg4[%swap3A, %swap3A_14, %swap3A_15] : memref<1x256x2048xf32, #tpu.memory_space<vmem>>, vector<1x256x2048xf32>
    %swap3A_17 = vector.shape_cast %swap3A_16 : vector<1x256x2048xf32> to vector<256x2048xf32>
    %swap3A_18 = vector.shape_cast %dot_general3A_13 : vector<256x2048xf32> to vector<1x256x2048xf32>
    tpu.vector_store %arg4[%swap3A, %swap3A_14, %swap3A_15], %swap3A_18 {strides = array<i32>} : memref<1x256x2048xf32, #tpu.memory_space<vmem>>, vector<1x256x2048xf32>,
    %iota3A = tpu.iota {dimensions = array<i32: 0>} : vector<2048x2xi32>
    %iota3A_19 = tpu.iota {dimensions = array<i32: 1>} : vector<2048x2xi32>
    %eq3A_20 = arith.constant 0 : i32
    %eq3A_21 = vector.broadcast %eq3A_20 : i32 to vector<2048x2xi32>
    %eq3A_22 = arith.cmpi eq, %iota3A_19, %eq3A_21 : vector<2048x2xi32>
    %jit3A = arith.constant 8 : i32
    %div3A_23 = vector.broadcast %jit3A : i32 to vector<2048x2xi32>
    %div3A_24 = arith.divsi %iota3A, %div3A_23 : vector<2048x2xi32>
    %sign3A = arith.constant 0 : i32
    %sign3A_25 = vector.broadcast %sign3A : i32 to vector<2048x2xi32>
    %sign3A_26 = arith.cmpi sgt, %iota3A, %sign3A_25 : vector<2048x2xi32>
    %sign3A_27 = arith.extui %sign3A_26 : vector<2048x2xi1> to vector<2048x2xi32>
    %sign3A_28 = arith.constant 0 : i32
    %sign3A_29 = vector.broadcast %sign3A_28 : i32 to vector<2048x2xi32>
    %sign3A_30 = arith.cmpi slt, %iota3A, %sign3A_29 : vector<2048x2xi32>
    %sign3A_31 = arith.extui %sign3A_30 : vector<2048x2xi1> to vector<2048x2xi32>
    %sign3A_32 = arith.subi %sign3A_27, %sign3A_31 : vector<2048x2xi32>
    %sign3A_33 = arith.constant 0 : i32
    %sign3A_34 = arith.cmpi sgt, %jit3A, %sign3A_33 : i32
    %sign3A_35 = arith.extui %sign3A_34 : i1 to i32
    %sign3A_36 = arith.constant 0 : i32
    %sign3A_37 = arith.cmpi slt, %jit3A, %sign3A_36 : i32
    %sign3A_38 = arith.extui %sign3A_37 : i1 to i32
    %sign3A_39 = arith.subi %sign3A_35, %sign3A_38 : i32
    %ne3A = vector.broadcast %sign3A_39 : i32 to vector<2048x2xi32>
    %ne3A_40 = arith.cmpi ne, %sign3A_32, %ne3A : vector<2048x2xi32>
    %rem3A = vector.broadcast %jit3A : i32 to vector<2048x2xi32>
    %rem3A_41 = arith.remsi %iota3A, %rem3A : vector<2048x2xi32>
    %ne3A_42 = arith.constant 0 : i32
    %ne3A_43 = vector.broadcast %ne3A_42 : i32 to vector<2048x2xi32>
    %ne3A_44 = arith.cmpi ne, %rem3A_41, %ne3A_43 : vector<2048x2xi32>
    %and3A = arith.andi %ne3A_40, %ne3A_44 : vector<2048x2xi1>
    %sub3A = arith.constant 1 : i32
    %sub3A_45 = vector.broadcast %sub3A : i32 to vector<2048x2xi32>
    %sub3A_46 = arith.subi %div3A_24, %sub3A_45 : vector<2048x2xi32>
    %select_n3A = arith.select %and3A, %sub3A_46, %div3A_24 : vector<2048x2xi1>, vector<2048x2xi32>
    %jit3A_47 = arith.constant 8 : i32
    %eq3A_48 = arith.constant 0 : i32
    %eq3A_49 = arith.cmpi eq, %jit3A_47, %eq3A_48 : i32
    %jit3A_50 = arith.constant 1 : i32
    %select_n3A_51 = arith.select %eq3A_49, %jit3A_50, %jit3A_47 : i32
    %rem3A_52 = vector.broadcast %select_n3A_51 : i32 to vector<2048x2xi32>
    %rem3A_53 = arith.remsi %iota3A, %rem3A_52 : vector<2048x2xi32>
    %ne3A_54 = arith.constant 0 : i32
    %ne3A_55 = vector.broadcast %ne3A_54 : i32 to vector<2048x2xi32>
    %ne3A_56 = arith.cmpi ne, %rem3A_53, %ne3A_55 : vector<2048x2xi32>
    %lt3A = arith.constant 0 : i32
    %lt3A_57 = vector.broadcast %lt3A : i32 to vector<2048x2xi32>
    %lt3A_58 = arith.cmpi slt, %rem3A_53, %lt3A_57 : vector<2048x2xi32>
    %lt3A_59 = arith.constant 0 : i32
    %lt3A_60 = arith.cmpi slt, %select_n3A_51, %lt3A_59 : i32
    %ne3A_61 = vector.broadcast %lt3A_60 : i1 to vector<2048x2xi1>
    %ne3A_62 = vector.broadcast %ne3A_61 : vector<2048x2xi1> to vector<2048x2xi1>
    %ne3A_63 = arith.xori %lt3A_58, %ne3A_62 : vector<2048x2xi1>
    %and3A_64 = arith.andi %ne3A_63, %ne3A_56 : vector<2048x2xi1>
    %add3A = vector.broadcast %select_n3A_51 : i32 to vector<2048x2xi32>
    %add3A_65 = arith.addi %rem3A_53, %add3A : vector<2048x2xi32>
    %select_n3A_66 = arith.select %and3A_64, %add3A_65, %rem3A_53 : vector<2048x2xi1>, vector<2048x2xi32>
    %select_n3A_67 = arith.select %eq3A_22, %select_n3A, %select_n3A_66 : vector<2048x2xi1>, vector<2048x2xi32>
    %convert_element_type3A_68 = arith.sitofp %select_n3A_67 : vector<2048x2xi32> to vector<2048x2xbf16>
    %reduce_max3A = arith.constant dense<0xFF800000> : vector<256xf32>
    %reduce_max3A_69 = vector.multi_reduction <maximumf>, %dot_general3A_13, %reduce_max3A [1] : vector<256x2048xf32> to vector<256xf32>
    %broadcast_in_dim3A_70 = vector.shape_cast %reduce_max3A_69 : vector<256xf32> to vector<256x1xf32>
    %eq3A_71 = vector.broadcast %broadcast_in_dim3A_70 : vector<256x1xf32> to vector<256x2048xf32>
    %eq3A_72 = arith.cmpf oeq, %dot_general3A_13, %eq3A_71 : vector<256x2048xf32>
    %convert_element_type3A_73 = arith.extui %eq3A_72 : vector<256x2048xi1> to vector<256x2048xi32>
    %convert_element_type3A_74 = arith.sitofp %convert_element_type3A_73 : vector<256x2048xi32> to vector<256x2048xf32>
    %convert_element_type3A_75 = arith.truncf %convert_element_type3A_74 : vector<256x2048xf32> to vector<256x2048xbf16>
    %dot_general3A_76 = arith.constant dense<0.000000e+00> : vector<256x2xf32>
    %dot_general3A_77 = tpu.matmul %convert_element_type3A_75, %convert_element_type3A_68, %dot_general3A_76 {dimension_numbers = #tpu.dot_dimension_numbers<[1], [0], [0], [1], [0, 0, 1, 1], [], []>, transpose_lhs_hint = false} : vector<256x2048xbf16>, vector<2048x2xbf16>, vector<256x2xf32> -> vector<256x2xf32>
    %convert_element_type3A_78 = arith.fptosi %dot_general3A_77 : vector<256x2xf32> to vector<256x2xi32>
    %slice3A = vector.extract_strided_slice %convert_element_type3A_78 {offsets = [0, 0], sizes = [256, 1], strides = [1, 1]} : vector<256x2xi32> to vector<256x1xi32>
    %mul3A_79 = arith.constant 8 : i32
    %mul3A_80 = vector.broadcast %mul3A_79 : i32 to vector<256x1xi32>
    %mul3A_81 = arith.muli %slice3A, %mul3A_80 : vector<256x1xi32>
    %slice3A_82 = vector.extract_strided_slice %convert_element_type3A_78 {offsets = [0, 1], sizes = [256, 1], strides = [1, 1]} : vector<256x2xi32> to vector<256x1xi32>
    %add3A_83 = arith.addi %mul3A_81, %slice3A_82 : vector<256x1xi32>
    %jit3A_84 = arith.constant -3.000000e+00 : f32
    %broadcast_in_dim3A_85 = vector.broadcast %jit3A_84 : f32 to vector<256x2048xf32>
    %select_n3A_86 = arith.select %eq3A_72, %broadcast_in_dim3A_85, %dot_general3A_13 : vector<256x2048xi1>, vector<256x2048xf32>
    %reduce_max3A_87 = arith.constant dense<0xFF800000> : vector<256xf32>
    %reduce_max3A_88 = vector.multi_reduction <maximumf>, %select_n3A_86, %reduce_max3A_87 [1] : vector<256x2048xf32> to vector<256xf32>
    %broadcast_in_dim3A_89 = vector.shape_cast %reduce_max3A_88 : vector<256xf32> to vector<256x1xf32>
    %swap3A_90 = arith.constant 0 : index
    %swap3A_91 = arith.constant 0 : index
    %swap3A_92 = arith.constant 0 : index
    %swap3A_93 = arith.constant 0 : index
    %swap3A_94 = vector.load %arg5[%swap3A_90, %swap3A_91, %swap3A_92, %swap3A_93] : memref<1x1x256x1xi32, #tpu.memory_space<vmem>>, vector<1x1x256x1xi32>
    %swap3A_95 = vector.shape_cast %swap3A_94 : vector<1x1x256x1xi32> to vector<256x1xi32>
    %swap3A_96 = vector.shape_cast %add3A_83 : vector<256x1xi32> to vector<1x1x256x1xi32>
    tpu.vector_store %arg5[%swap3A_90, %swap3A_91, %swap3A_92, %swap3A_93], %swap3A_96 {strides = array<i32>} : memref<1x1x256x1xi32, #tpu.memory_space<vmem>>, vector<1x1x256x1xi32>,
    %swap3A_97 = arith.constant 0 : index
    %swap3A_98 = arith.constant 0 : index
    %swap3A_99 = arith.constant 0 : index
    %swap3A_100 = arith.constant 0 : index
    %swap3A_101 = vector.load %arg6[%swap3A_97, %swap3A_98, %swap3A_99, %swap3A_100] : memref<1x1x256x1xf32, #tpu.memory_space<vmem>>, vector<1x1x256x1xf32>
    %swap3A_102 = vector.shape_cast %swap3A_101 : vector<1x1x256x1xf32> to vector<256x1xf32>
    %swap3A_103 = vector.shape_cast %broadcast_in_dim3A_70 : vector<256x1xf32> to vector<1x1x256x1xf32>
    tpu.vector_store %arg6[%swap3A_97, %swap3A_98, %swap3A_99, %swap3A_100], %swap3A_103 {strides = array<i32>} : memref<1x1x256x1xf32, #tpu.memory_space<vmem>>, vector<1x1x256x1xf32>,
    %swap3A_104 = arith.constant 0 : index
    %swap3A_105 = arith.constant 0 : index
    %swap3A_106 = arith.constant 0 : index
    %swap3A_107 = arith.constant 0 : index
    %swap3A_108 = vector.load %arg7[%swap3A_104, %swap3A_105, %swap3A_106, %swap3A_107] : memref<1x1x256x1xf32, #tpu.memory_space<vmem>>, vector<1x1x256x1xf32>
    %swap3A_109 = vector.shape_cast %swap3A_108 : vector<1x1x256x1xf32> to vector<256x1xf32>
    %swap3A_110 = vector.shape_cast %broadcast_in_dim3A_89 : vector<256x1xf32> to vector<1x1x256x1xf32>
    tpu.vector_store %arg7[%swap3A_104, %swap3A_105, %swap3A_106, %swap3A_107], %swap3A_110 {strides = array<i32>} : memref<1x1x256x1xf32, #tpu.memory_space<vmem>>, vector<1x1x256x1xf32>,
    %iota3A_111 = tpu.iota {dimensions = array<i32: 1>} : vector<1x256xi32>
    %mul3A_112 = arith.constant 256 : i32
    %mul3A_113 = arith.muli %arg1, %mul3A_112 : i32
    %add3A_114 = vector.broadcast %mul3A_113 : i32 to vector<1x256xi32>
    %add3A_115 = arith.addi %iota3A_111, %add3A_114 : vector<1x256xi32>
    %convert_element_type3A_116 = arith.sitofp %add3A_115 : vector<1x256xi32> to vector<1x256xf32>
    %reduce_max3A_117 = arith.constant dense<0xFF800000> : vector<2048xf32>
    %reduce_max3A_118 = vector.multi_reduction <maximumf>, %dot_general3A_13, %reduce_max3A_117 [0] : vector<256x2048xf32> to vector<2048xf32>
    %broadcast_in_dim3A_119 = vector.shape_cast %reduce_max3A_118 : vector<2048xf32> to vector<1x2048xf32>
    %eq3A_120 = vector.broadcast %broadcast_in_dim3A_119 : vector<1x2048xf32> to vector<256x2048xf32>
    %eq3A_121 = arith.cmpf oeq, %dot_general3A_13, %eq3A_120 : vector<256x2048xf32>
    %convert_element_type3A_122 = arith.extui %eq3A_121 : vector<256x2048xi1> to vector<256x2048xi32>
    %convert_element_type3A_123 = arith.sitofp %convert_element_type3A_122 : vector<256x2048xi32> to vector<256x2048xf32>
    %dot_general3A_124 = arith.constant dense<0.000000e+00> : vector<1x2048xf32>
    %dot_general3A_125 = tpu.matmul %convert_element_type3A_116, %convert_element_type3A_123, %dot_general3A_124 {dimension_numbers = #tpu.dot_dimension_numbers<[1], [0], [0], [1], [0, 0, 1, 1], [], []>, transpose_lhs_hint = false} : vector<1x256xf32>, vector<256x2048xf32>, vector<1x2048xf32> -> vector<1x2048xf32>
    %convert_element_type3A_126 = arith.fptosi %dot_general3A_125 : vector<1x2048xf32> to vector<1x2048xi32>
    %jit3A_127 = arith.constant -3.000000e+00 : f32
    %broadcast_in_dim3A_128 = vector.broadcast %jit3A_127 : f32 to vector<256x2048xf32>
    %select_n3A_129 = arith.select %eq3A_121, %broadcast_in_dim3A_128, %dot_general3A_13 : vector<256x2048xi1>, vector<256x2048xf32>
    %reduce_max3A_130 = arith.constant dense<0xFF800000> : vector<2048xf32>
    %reduce_max3A_131 = vector.multi_reduction <maximumf>, %select_n3A_129, %reduce_max3A_130 [0] : vector<256x2048xf32> to vector<2048xf32>
    %broadcast_in_dim3A_132 = vector.shape_cast %reduce_max3A_131 : vector<2048xf32> to vector<1x2048xf32>
    %eq3A_133 = arith.constant 0 : i32
    %eq3A_134 = arith.cmpi eq, %arg1, %eq3A_133 : i32
    %convert_element_type3A_135 = arith.extui %eq3A_134 : i1 to i32
    %cond3A_136 = arith.constant 0 : i32
    %cond3A_137 = arith.cmpi ne, %convert_element_type3A_135, %cond3A_136 : i32
    scf.if %cond3A_137 {
      %swap3A_147 = arith.constant 0 : index
      %swap3A_148 = arith.constant 0 : index
      %swap3A_149 = vector.load %arg12[%swap3A_147, %swap3A_148] : memref<1x2048xf32, #tpu.memory_space<vmem>>, vector<1x2048xf32>
      tpu.vector_store %arg12[%swap3A_147, %swap3A_148], %broadcast_in_dim3A_119 {strides = array<i32>} : memref<1x2048xf32, #tpu.memory_space<vmem>>, vector<1x2048xf32>,
      %swap3A_150 = arith.constant 0 : index
      %swap3A_151 = arith.constant 0 : index
      %swap3A_152 = vector.load %arg13[%swap3A_150, %swap3A_151] : memref<1x2048xi32, #tpu.memory_space<vmem>>, vector<1x2048xi32>
      tpu.vector_store %arg13[%swap3A_150, %swap3A_151], %convert_element_type3A_126 {strides = array<i32>} : memref<1x2048xi32, #tpu.memory_space<vmem>>, vector<1x2048xi32>,
      %swap3A_153 = arith.constant 0 : index
      %swap3A_154 = arith.constant 0 : index
      %swap3A_155 = vector.load %arg14[%swap3A_153, %swap3A_154] : memref<1x2048xf32, #tpu.memory_space<vmem>>, vector<1x2048xf32>
      tpu.vector_store %arg14[%swap3A_153, %swap3A_154], %broadcast_in_dim3A_132 {strides = array<i32>} : memref<1x2048xf32, #tpu.memory_space<vmem>>, vector<1x2048xf32>,
    } else {
    }
    %gt3A = arith.constant 0 : i32
    %gt3A_138 = arith.cmpi sgt, %arg1, %gt3A : i32
    %convert_element_type3A_139 = arith.extui %gt3A_138 : i1 to i32
    %cond3A_140 = arith.constant 0 : i32
    %cond3A_141 = arith.cmpi ne, %convert_element_type3A_139, %cond3A_140 : i32
    scf.if %cond3A_141 {
      %get3A_147 = arith.constant 0 : index
      %get3A_148 = arith.constant 0 : index
      %get3A_149 = vector.load %arg12[%get3A_147, %get3A_148] : memref<1x2048xf32, #tpu.memory_space<vmem>>, vector<1x2048xf32>
      %get3A_150 = arith.constant 0 : index
      %get3A_151 = arith.constant 0 : index
      %get3A_152 = vector.load %arg13[%get3A_150, %get3A_151] : memref<1x2048xi32, #tpu.memory_space<vmem>>, vector<1x2048xi32>
      %get3A_153 = arith.constant 0 : index
      %get3A_154 = arith.constant 0 : index
      %get3A_155 = vector.load %arg14[%get3A_153, %get3A_154] : memref<1x2048xf32, #tpu.memory_space<vmem>>, vector<1x2048xf32>
      %ge3A = arith.cmpf oge, %get3A_149, %broadcast_in_dim3A_119 : vector<1x2048xf32>
      %max3A_156 = arith.maximumf %get3A_155, %broadcast_in_dim3A_119 : vector<1x2048xf32>
      %max3A_157 = arith.maximumf %get3A_149, %broadcast_in_dim3A_132 : vector<1x2048xf32>
      %select_n3A_158 = arith.select %ge3A, %max3A_156, %max3A_157 : vector<1x2048xi1>, vector<1x2048xf32>
      %swap3A_159 = arith.constant 0 : index
      %swap3A_160 = arith.constant 0 : index
      %swap3A_161 = vector.load %arg14[%swap3A_159, %swap3A_160] : memref<1x2048xf32, #tpu.memory_space<vmem>>, vector<1x2048xf32>
      tpu.vector_store %arg14[%swap3A_159, %swap3A_160], %select_n3A_158 {strides = array<i32>} : memref<1x2048xf32, #tpu.memory_space<vmem>>, vector<1x2048xf32>,
      %select_n3A_162 = arith.select %ge3A, %get3A_152, %convert_element_type3A_126 : vector<1x2048xi1>, vector<1x2048xi32>
      %swap3A_163 = arith.constant 0 : index
      %swap3A_164 = arith.constant 0 : index
      %swap3A_165 = vector.load %arg13[%swap3A_163, %swap3A_164] : memref<1x2048xi32, #tpu.memory_space<vmem>>, vector<1x2048xi32>
      tpu.vector_store %arg13[%swap3A_163, %swap3A_164], %select_n3A_162 {strides = array<i32>} : memref<1x2048xi32, #tpu.memory_space<vmem>>, vector<1x2048xi32>,
      %max3A_166 = arith.maximumf %get3A_149, %broadcast_in_dim3A_119 : vector<1x2048xf32>
      %swap3A_167 = arith.constant 0 : index
      %swap3A_168 = arith.constant 0 : index
      %swap3A_169 = vector.load %arg12[%swap3A_167, %swap3A_168] : memref<1x2048xf32, #tpu.memory_space<vmem>>, vector<1x2048xf32>
      tpu.vector_store %arg12[%swap3A_167, %swap3A_168], %max3A_166 {strides = array<i32>} : memref<1x2048xf32, #tpu.memory_space<vmem>>, vector<1x2048xf32>,
    } else {
    }
    %eq3A_142 = arith.constant 7 : i32
    %eq3A_143 = arith.cmpi eq, %arg1, %eq3A_142 : i32
    %convert_element_type3A_144 = arith.extui %eq3A_143 : i1 to i32
    %cond3A_145 = arith.constant 0 : i32
    %cond3A_146 = arith.cmpi ne, %convert_element_type3A_144, %cond3A_145 : i32
    scf.if %cond3A_146 {
      %get3A_147 = arith.constant 0 : index
      %get3A_148 = arith.constant 0 : index
      %get3A_149 = vector.load %arg13[%get3A_147, %get3A_148] : memref<1x2048xi32, #tpu.memory_space<vmem>>, vector<1x2048xi32>
      %swap3A_150 = arith.constant 0 : index
      %swap3A_151 = arith.constant 0 : index
      %swap3A_152 = arith.constant 0 : index
      %swap3A_153 = vector.load %arg8[%swap3A_150, %swap3A_151, %swap3A_152] : memref<1x1x2048xi32, #tpu.memory_space<vmem>>, vector<1x1x2048xi32>
      %swap3A_154 = vector.shape_cast %swap3A_153 : vector<1x1x2048xi32> to vector<1x2048xi32>
      %swap3A_155 = vector.shape_cast %get3A_149 : vector<1x2048xi32> to vector<1x1x2048xi32>
      tpu.vector_store %arg8[%swap3A_150, %swap3A_151, %swap3A_152], %swap3A_155 {strides = array<i32>} : memref<1x1x2048xi32, #tpu.memory_space<vmem>>, vector<1x1x2048xi32>,
      %get3A_156 = arith.constant 0 : index
      %get3A_157 = arith.constant 0 : index
      %get3A_158 = vector.load %arg12[%get3A_156, %get3A_157] : memref<1x2048xf32, #tpu.memory_space<vmem>>, vector<1x2048xf32>
      %swap3A_159 = arith.constant 0 : index
      %swap3A_160 = arith.constant 0 : index
      %swap3A_161 = arith.constant 0 : index
      %swap3A_162 = vector.load %arg9[%swap3A_159, %swap3A_160, %swap3A_161] : memref<1x1x2048xf32, #tpu.memory_space<vmem>>, vector<1x1x2048xf32>
      %swap3A_163 = vector.shape_cast %swap3A_162 : vector<1x1x2048xf32> to vector<1x2048xf32>
      %swap3A_164 = vector.shape_cast %get3A_158 : vector<1x2048xf32> to vector<1x1x2048xf32>
      tpu.vector_store %arg9[%swap3A_159, %swap3A_160, %swap3A_161], %swap3A_164 {strides = array<i32>} : memref<1x1x2048xf32, #tpu.memory_space<vmem>>, vector<1x1x2048xf32>,
      %get3A_165 = arith.constant 0 : index
      %get3A_166 = arith.constant 0 : index
      %get3A_167 = vector.load %arg14[%get3A_165, %get3A_166] : memref<1x2048xf32, #tpu.memory_space<vmem>>, vector<1x2048xf32>
      %swap3A_168 = arith.constant 0 : index
      %swap3A_169 = arith.constant 0 : index
      %swap3A_170 = arith.constant 0 : index
      %swap3A_171 = vector.load %arg10[%swap3A_168, %swap3A_169, %swap3A_170] : memref<1x1x2048xf32, #tpu.memory_space<vmem>>, vector<1x1x2048xf32>
      %swap3A_172 = vector.shape_cast %swap3A_171 : vector<1x1x2048xf32> to vector<1x2048xf32>
      %swap3A_173 = vector.shape_cast %get3A_167 : vector<1x2048xf32> to vector<1x1x2048xf32>
      tpu.vector_store %arg10[%swap3A_168, %swap3A_169, %swap3A_170], %swap3A_173 {strides = array<i32>} : memref<1x1x2048xf32, #tpu.memory_space<vmem>>, vector<1x1x2048xf32>,
    } else {
    }
    return
  }
  func.func @transform_0(%arg0: i32, %arg1: i32) -> (i32, i32, i32) {
    %c0_i32 = arith.constant 0 : i32
    %c0_i32_0 = arith.constant 0 : i32
    return %arg0, %arg1, %c0_i32 : i32, i32, i32
  }
  func.func @transform_1(%arg0: i32, %arg1: i32) -> (i32, i32, i32) {
    %c0_i32 = arith.constant 0 : i32
    %c0_i32_0 = arith.constant 0 : i32
    %c0_i32_1 = arith.constant 0 : i32
    return %arg0, %c0_i32, %c0_i32_0 : i32, i32, i32
  }
  func.func @transform_2(%arg0: i32, %arg1: i32) -> (i32, i32, i32) {
    %c0_i32 = arith.constant 0 : i32
    %c0_i32_0 = arith.constant 0 : i32
    return %arg0, %arg1, %c0_i32 : i32, i32, i32
  }
  func.func @transform_3(%arg0: i32, %arg1: i32) -> (i32, i32, i32, i32) {
    %c0_i32 = arith.constant 0 : i32
    %c0_i32_0 = arith.constant 0 : i32
    %c0_i32_1 = arith.constant 0 : i32
    return %arg0, %arg1, %c0_i32, %c0_i32_0 : i32, i32, i32, i32
  }
  func.func @transform_4(%arg0: i32, %arg1: i32) -> (i32, i32, i32, i32) {
    %c0_i32 = arith.constant 0 : i32
    %c0_i32_0 = arith.constant 0 : i32
    %c0_i32_1 = arith.constant 0 : i32
    return %arg0, %arg1, %c0_i32, %c0_i32_0 : i32, i32, i32, i32
  }
  func.func @transform_5(%arg0: i32, %arg1: i32) -> (i32, i32, i32, i32) {
    %c0_i32 = arith.constant 0 : i32
    %c0_i32_0 = arith.constant 0 : i32
    %c0_i32_1 = arith.constant 0 : i32
    return %arg0, %arg1, %c0_i32, %c0_i32_0 : i32, i32, i32, i32
  }
  func.func @transform_6(%arg0: i32, %arg1: i32) -> (i32, i32, i32) {
    %c0_i32 = arith.constant 0 : i32
    %c0_i32_0 = arith.constant 0 : i32
    %c0_i32_1 = arith.constant 0 : i32
    return %arg0, %c0_i32, %c0_i32_0 : i32, i32, i32
  }
  func.func @transform_7(%arg0: i32, %arg1: i32) -> (i32, i32, i32) {
    %c0_i32 = arith.constant 0 : i32
    %c0_i32_0 = arith.constant 0 : i32
    %c0_i32_1 = arith.constant 0 : i32
    return %arg0, %c0_i32, %c0_i32_0 : i32, i32, i32
  }
  func.func @transform_8(%arg0: i32, %arg1: i32) -> (i32, i32, i32) {
    %c0_i32 = arith.constant 0 : i32
    %c0_i32_0 = arith.constant 0 : i32
    %c0_i32_1 = arith.constant 0 : i32
    return %arg0, %c0_i32, %c0_i32_0 : i32, i32, i32
  }
}

</mosaic_0001>

<sc_bundles>
// kernel: kernel.4.cloned.1.call-start
scs
__scs_entry_jumppad:
0x0: {  	(pc) =	sbr.rel $0x88, $3  }
0x1: {  	(tag) =	ssettag $0x0;
	lr =	simm.s32 $0x1  }
0x2: {  	[smem:$0x3F9D] =	sst lr;
	_ =	strace $0xD0000000  }
0x3: {  	_ = 	snop  }
0x4: {  	_ = 	snop  }
0x5: {  	_ = 	snop  }
0x6: {  	_ = 	snop  }
0x7: {  	_ = 	snop  }
__scs_overlays_trampoline_lowered:
0x8: {  	[smem:$0x3FAC] =	sst s0  }
0x9: {  	[smem:$0x3FAD] =	sst s1  }
0xa: {  	[smem:$0x3FAE] =	sst s2  }
0xb: {  	[smem:$0x3FAF] =	sst s3  }
0xc: {  	[smem:$0x3FB0] =	sst s4  }
0xd: {  	[smem:$0x3FB1] =	sst s5  }
0xe: {  	[smem:$0x3FB2] =	sst s6  }
0xf: {  	[smem:$0x3FB3] =	sst s7  }
0x10: {  	[smem:$0x3FB4] =	sst s8  }
0x11: {  	[smem:$0x3FB5] =	sst s9;
	s0 =	simm.s32 @!p0 $0x0  }
0x12: {  	s1 =	sld [smem:$0x3F9B];
	s0 =	simm.s32 @p0 $0x1  }
0x13: {  	[smem:$0x3FB6] =	sst s0;
	s0 =	simm.s32 @!p1 $0x0  }
0x14: {  	s2 =	sld [smem:$0x3F9A];
	s0 =	simm.s32 @p1 $0x1  }
0x15: {  	[smem:$0x3FB7] =	sst s0;
	s0 =	simm.s32 @!p2 $0x0  }
0x16: {  	s3 =	sld [smem:$0x3FDB];
	s0 =	simm.s32 @p2 $0x1  }
0x17: {  	s4 =	simm.s32 $0x1BF5;
	[smem:$0x3FB9] =	sst s0  }
0x18: {  	s0 =	sld [smem:$0x3F9C];
	_ =	swait.ge [sflag:s4], $0x0  }
0x19: {  	s7 =	sld [smem:$0x3F9D]  }
0x1a: {  	s8 =	sadd.s32 $0xFFFFE003, lr  }
0x1b: {  	s9 =	sadd.s32 $0xFFFFFEF7, lr;
	s5 =	simm.s32 $0xFFFFFFFF;
	p2 =	slt.u32 s8, $0xFFFFF086  }
0x1c: {  	p1 =	slt.u32 s9, $0xF7A;
	s5 =	simm.s32 @!p2 $0x0  }
0x1d: {  	s5 =	simm.s32 @p1 $0x1;
	p0 =	seq.s32 s7, s2  }
0x1e: {  	s7 =	smul.u32 @!p0 $0xF7A, s2;
	p2 =	seq.s32 @!p0 s5, $0x0  }
0x1f: {  	s9 =	smul.u32 $0xF7A, s1;
	s8 =	simm.s32 @!p0 $0x1BF5;
	p2 =	por !p2, p0  }
0x20: {  	[sflag:s8] =	ssyncset.s32 @!p0 $0xFFFFF086;
	s6 =	sadd.s32 @!p0 s3, s7;
	s7 =	simm.s32 @!p0 $0x108  }
0x21: {  	s3 =	sadd.s32 s3, s9;
	s6 =	sadd.s32 @!p0 $0x88, s6;
	s7 =	simm.s32 @p2 $0x1082  }
0x22: {  	[simem:s7], [sflag:s8] =	dma.local @!p0 [hbm:s6], $0xF7A  }
0x23: {  	s9 =	sor.u32 $0xD0000000, s2;
	s6 =	simm.s32 $0x108;
	_ =	swait.ge @!p0 [sflag:s8], $0x0  }
0x24: {  	s3 =	sadd.s32 $0x88, s3;
	s6 =	simm.s32 @!p1 $0x1082;
	[sflag:s4] =	ssyncset.s32 $0xFFFFF086  }
0x25: {  	[simem:s6], [sflag:s4] =	dma.local [hbm:s3], $0xF7A  }
0x26: {  	[smem:$0x3F9D] =	sst s1;
	(tag) =	ssettag s2;
	_ =	strace s9  }
0x27: {  	s1 =	sld [smem:$0x3FAD]  }
0x28: {  	s2 =	sld [smem:$0x3FAE]  }
0x29: {  	s4 =	sld [smem:$0x3FB0]  }
0x2a: {  	p0 =	seq.s32 s5, $0x0;
	s5 =	sld [smem:$0x3FB1]  }
0x2b: {  	s6 =	sld [smem:$0x3FB2]  }
0x2c: {  	s7 =	sld [smem:$0x3FB3]  }
0x2d: {  	s3 =	simm.s32 $0x108;
	s8 =	sld [smem:$0x3FB4]  }
0x2e: {  	s3 =	simm.s32 @!p0 $0x1082;
	s9 =	sld [smem:$0x3FB5]  }
0x2f: {  	lr =	sadd.s32 s0, s3;
	s0 =	sld [smem:$0x3FAC]  }
0x30: {  	s3 =	sld [smem:$0x3FAF]  }
0x31: {  	[smem:$0x3FB8] =	sst s10  }
0x32: {  	s10 =	sld [smem:$0x3FB6];
	_ =	sdelay $0x3  }
0x33: {  	p0 =	seq.s32 s10, $0x1;
	s10 =	sld [smem:$0x3FB8];
	_ =	sdelay $0x3  }
0x34: {  	[smem:$0x3FB8] =	sst s10  }
0x35: {  	s10 =	sld [smem:$0x3FB7];
	_ =	sdelay $0x3  }
0x36: {  	p1 =	seq.s32 s10, $0x1;
	s10 =	sld [smem:$0x3FB8];
	_ =	sdelay $0x3  }
0x37: {  	[smem:$0x3FB8] =	sst s10  }
0x38: {  	s10 =	sld [smem:$0x3FB9]  }
0x39: {  	_ = 	snop;
	(pc) =	sbr.ind lr, $3  }
0x3a: {  	_ = 	snop  }
0x3b: {  	_ = 	snop  }
0x3c: {  	p2 =	seq.s32 s10, $0x1;
	s10 =	sld [smem:$0x3FB8]  }
0x3d: {  	_ =	shalt  }
0x3e: {  	_ =	shalt  }
0x3f: {  	_ =	shalt  }
0x40: {  	_ =	shalt  }
0x41: {  	_ =	shalt  }
0x42: {  	_ =	shalt  }
0x43: {  	_ =	shalt  }
0x44: {  	_ =	shalt  }
0x45: {  	_ =	shalt  }
0x46: {  	_ =	shalt  }
0x47: {  	_ =	shalt  }
0x48: {  	_ =	shalt  }
0x49: {  	_ =	shalt  }
0x4a: {  	_ =	shalt  }
0x4b: {  	_ =	shalt  }
0x4c: {  	_ =	shalt  }
0x4d: {  	_ =	shalt  }
0x4e: {  	_ =	shalt  }
0x4f: {  	_ =	shalt  }
0x50: {  	_ =	shalt  }
0x51: {  	_ =	shalt  }
0x52: {  	_ =	shalt  }
0x53: {  	_ =	shalt  }
0x54: {  	_ =	shalt  }
0x55: {  	_ =	shalt  }
0x56: {  	_ =	shalt  }
0x57: {  	_ =	shalt  }
0x58: {  	_ =	shalt  }
0x59: {  	_ =	shalt  }
0x5a: {  	_ =	shalt  }
0x5b: {  	_ =	shalt  }
0x5c: {  	_ =	shalt  }
0x5d: {  	_ =	shalt  }
0x5e: {  	_ =	shalt  }
0x5f: {  	_ =	shalt  }
0x60: {  	_ =	shalt  }
0x61: {  	_ =	shalt  }
0x62: {  	_ =	shalt  }
0x63: {  	_ =	shalt  }
0x64: {  	_ =	shalt  }
0x65: {  	_ =	shalt  }
0x66: {  	_ =	shalt  }
0x67: {  	_ =	shalt  }
0x68: {  	_ =	shalt  }
0x69: {  	_ =	shalt  }
0x6a: {  	_ =	shalt  }
0x6b: {  	_ =	shalt  }
0x6c: {  	_ =	shalt  }
0x6d: {  	_ =	shalt  }
0x6e: {  	_ =	shalt  }
0x6f: {  	_ =	shalt  }
0x70: {  	_ =	shalt  }
0x71: {  	_ =	shalt  }
0x72: {  	_ =	shalt  }
0x73: {  	_ =	shalt  }
0x74: {  	_ =	shalt  }
0x75: {  	_ =	shalt  }
0x76: {  	_ =	shalt  }
0x77: {  	_ =	shalt  }
0x78: {  	_ =	shalt  }
0x79: {  	_ =	shalt  }
0x7a: {  	_ =	shalt  }
0x7b: {  	_ =	shalt  }
0x7c: {  	_ =	shalt  }
0x7d: {  	_ =	shalt  }
0x7e: {  	_ =	shalt  }
0x7f: {  	_ =	shalt  }
0x80: {  	_ =	shalt  }
0x81: {  	_ =	shalt  }
0x82: {  	_ =	shalt  }
0x83: {  	_ =	shalt  }
0x84: {  	_ =	shalt  }
0x85: {  	_ =	shalt  }
0x86: {  	_ =	shalt  }
0x87: {  	_ =	shalt  }
.Lfunc_end0:
.L_simem_size_0:
called_computation_lowered:
.L_overlay_start_0:
0x88: {  	s2 =	sld [smem:$0x3FD9]  }
0x89: {  	s3 =	sld [smem:$0x3FFE];
	_ =	sdelay $0x1  }
0x8a: {  	s1 =	srdreg.scid  }
0x8b: {  	s0 =	sand.u32 $0x1, s1  }
0x8c: {  	s14 =	sshll.u32 s0, $0xA;
	s2 =	sadd.s32 s3, s2  }
0x8d: {  	s2 =	sadd.s32 s2, s14  }
0x8e: {  	[smem:$0x3FC4] =	sst s2  }
0x8f: {  	_ = 	snop  }
0x90: {  	s2 =	sld [smem:$0x3FD0];
	_ =	sdelay $0x2  }
0x91: {  	s15 =	simm.s32 $0xA;
	s4 =	simm.s32 $0x10  }
0x92: {  	[smem:s4], [sflag:s15] =	dma.local [hbm:s2], $0x1  }
0x93: {  	_ =	swait.eq [sflag:s15], $0x1  }
0x94: {  	s16 =	sld [smem:$0x10]  }
0x95: {  	s17 =	sld [smem:$0x11]  }
0x96: {  	s5 =	sld [smem:$0x12]  }
0x97: {  	s6 =	sld [smem:$0x13];
	[sflag:s15] =	ssyncset.done $0x0  }
0x98: {  	s7 =	sld [smem:$0x14];
	[sflag:s15] =	ssyncadd.s32 $0xFFFFFFFF  }
0x99: {  	s18 =	sld [smem:$0x15];
	(tm) =	ssettm $0x1  }
0x9a: {  	s8 =	sld [smem:$0x3FFB];
	_ =	sdelay $0x3  }
0x9b: {  	_ =	strace s8  }
0x9c: {  	s8 =	sld [smem:$0x3FFC];
	_ =	sdelay $0x3  }
0x9d: {  	_ =	strace s8  }
0x9e: {  	s8 =	sld [smem:$0x3FFD];
	_ =	sdelay $0x3  }
0x9f: {  	_ =	strace s8  }
0xa0: {  	_ =	strace $0x8FFFFFFF  }
0xa1: {  	s19 =	sld [smem:$0x3FDB];
	_ =	sdelay $0x1  }
0xa2: {  	s9 =	simm.s32 $_scs_section_size  }
0xa3: {  	s10 =	simm.s32 $_size__tile_overlayer_lowered;
	s11 =	simm.s32 $_tile_overlayer_lowered  }
0xa4: {  	s22 =	simm.s32 $0x1BFF;
	s21 =	sshll.u32 s11, $0x1;
	s8 =	sadd.s32 s9, s19  }
0xa5: {  	s12 =	simm.s32 $0x0;
	s20 =	sshll.u32 s10, $0x1;
	s10 =	sadd.s32 s21, s8  }
0xa6: {  	[timem:s12], [sflag:s22] =	dma.local [hbm:s10], s20  }
0xa7: {  	_ =	swait.ge [sflag:s22], s20  }
0xa8: {  	s9 =	ssub.s32 $0x0, s20;
	[sflag:s22] =	ssyncset.done $0x0  }
0xa9: {  	[sflag:s22] =	ssyncadd.s32 s9;
	_ =	sdelay $0x1  }
0xaa: {  	s23 =	simm.s32 $0x1B8B  }
0xab: {  	_ =	swait.ge [sflag:s23], $0x1  }
0xac: {  	[sflag:s23] =	ssyncset.done $0x0  }
0xad: {  	s25 =	simm.s32 $0x1B8E;
	s24 =	sld [smem:$0x3FFE];
	[sflag:s23] =	ssyncadd.s32 $0xFFFFFFFF  }
0xae: {  	s26 =	simm.s32 $execute0_lowered;
	[smem:$0x3FD2] =	sst s25  }
0xaf: {  	s10 =	sshll.u32 s26, $0x1;
	_ =	strace $0x80000046;
	[dreg:$0x1] =	wrdreg $0xFFFFFFFF  }
0xb0: {  	s28 =	simm.s32 $_size_execute0_lowered;
	s8 =	sadd.s32 s8, s10;
	[dreg:$0x0] =	wrdreg $0x0  }
0xb1: {  	s10 =	sshll.u32 s28, $0x1;
	[dreg:$0x2] =	wrdreg s8  }
0xb2: {  	[dreg:$0x3] =	wrdreg s10  }
0xb3: {  	[dreg:$0x4] =	wrdreg $0xC0  }
0xb4: {  	_ =	task [dreg:s12], $0x5FFFF  }
0xb5: {  	[dreg:$0x1] =	wrdreg $0xFFFFFFFF  }
0xb6: {  	[dreg:$0x0] =	wrdreg $0x60  }
0xb7: {  	[dreg:$0x2] =	wrdreg s24  }
0xb8: {  	[dreg:$0x3] =	wrdreg s18  }
0xb9: {  	[dreg:$0x4] =	wrdreg s7  }
0xba: {  	[dreg:$0x5] =	wrdreg s16  }
0xbb: {  	[dreg:$0x6] =	wrdreg s17  }
0xbc: {  	[dreg:$0x7] =	wrdreg s5  }
0xbd: {  	[dreg:$0x8] =	wrdreg s6  }
0xbe: {  	[dreg:$0x9] =	wrdreg $0x9  }
0xbf: {  	_ =	task.clear_ibuf [dreg:s12], $0xAFFFF;
	_ =	strace $0x90000046  }
0xc0: {  	s29 =	simm.s32 $0x9;
	_ =	strace $0x80000048  }
0xc1: {  	_ =	swait.ge [sflag:s29], $0x1  }
0xc2: {  	[sflag:s29] =	ssyncadd.s32 $0xFFFFFFFF  }
0xc3: {  	_ =	strace $0x90000048  }
0xc4: {  	_ =	sfence  }
0xc5: {  	s30 =	sld [smem:$0x0];
	_ =	sdelay $0x2  }
0xc6: {  	s31 =	sshll.u32 s1, $0xD;
	s1 =	sshrl.u32 s1, $0x2  }
0xc7: {  	s3 =	sand.u32 $0x4000, s31;
	s1 =	sadd.s32 s1, s30  }
0xc8: {  	s0 =	sor.u32 s3, s0;
	s1 =	sshll.u32 s1, $0x11  }
0xc9: {  	s0 =	sor.u32 s1, s0  }
0xca: {  	s0 =	sadd.s32 $0x8F2B, s0  }
0xcb: {  	[sflag:s0] =	ssyncadd.remote.s32 $0x1  }
0xcc: {  	_ =	sfence.sel $0xFFFF  }
0xcd: {  	[dreg:$0x0] =	wrdreg $0xFFFFFFFF;
	(pc) =	sbr.abs _section_cstart, $3  }
0xce: {  	[dreg:$0x1] =	wrdreg $0xFFFFFFFF  }
0xcf: {  	_ =	task.clear_ibuf [dreg:s12], $0x2FFFF;
	_ =	strace $0x9FFFFFFF  }
0xd0: {  	(tm) =	ssettm $0x7FFFFFFF  }
0xd1: {  	_ =	shalt  }
tec
execute0_lowered:
.L_overlay_start_1:
0x0: {  	(tag) =	ssettag $0x1  }
0x1: {  	s0 =	rddreg [dreg:$0x0]  }
0x2: {  	s1 =	rddreg [dreg:$0x1]  }
0x3: {  	s3 =	rddreg [dreg:$0x2]  }
0x4: {  	s4 =	rddreg [dreg:$0x3]  }
0x5: {  	s5 =	rddreg [dreg:$0x4]  }
0x6: {  	s6 =	rddreg [dreg:$0x5]  }
0x7: {  	s7 =	rddreg [dreg:$0x6]  }
0x8: {  	s20 =	stileid.u32;
	s8 =	srdreg.scid;
	s2 =	simm.s32 $0x0  }
0x9: {  	s28 =	simm.s32 $0x2000;
	s29 =	simm.s32 $0x2800;
	s30 =	simm.s32 $0x5A00  }
0xa: {  	s9 =	sshll.u32 s20, $0x1;
	s8 =	sand.u32 $0x1, s8;
	[smem:$0x7FF] =	sst s2  }
0xb: {  	s10 =	sshll.u32 s20, $0x6;
	s12 =	sadd.s32 $0x40A00, s0;
	s13 =	sadd.s32 $0x41200, s0  }
0xc: {  	s26 =	sand.u32 $0x1, s20;
	s9 =	sand.u32 $0x2, s9;
	s10 =	sand.u32 $0x380, s10  }
0xd: {  	_ =	strace $0x80000047;
	s18 =	ssub.s32 $0x2, s8;
	s9 =	sor.u32 s8, s9  }
0xe: {  	s19 =	sshrl.u32 s18, $0x1;
	s11 =	sshll.u32 s9, $0xC;
	s9 =	smul.u32 $0x3000, s9  }
0xf: {  	s31 =	sshll.u32 s8, $0x9;
	s19 =	ssub.s32 s18, s19;
	s11 =	sor.u32 s10, s11  }
0x10: {  	s19 =	smax.u32 s19, $0x1;
	s17 =	sshrl.u32 s11, $0x3;
	s9 =	sor.u32 s10, s9  }
0x11: {  	s10 =	sshrl.u32 s10, $0x3;
	s14 =	sadd.s32 s17, s0;
	s9 =	sshrl.u32 s9, $0x3  }
0x12: {  	s21 =	sadd.s32 s13, s10;
	s3 =	sadd.s32 s3, s10;
	s22 =	sadd.s32 s12, s17  }
0x13: {  	s25 =	sadd.s32 s12, s10;
	s1 =	sadd.s32 s1, s10;
	[dreg:$0x8] =	wrdreg s21  }
0x14: {  	s10 =	sadd.s32 s13, s17;
	s13 =	sadd.s32 s4, s17;
	[dreg:$0x9] =	wrdreg s3  }
0x15: {  	s16 =	sadd.s32 s5, s17;
	s0 =	sadd.s32 s9, s0;
	[dreg:$0xa] =	wrdreg s22  }
0x16: {  	s23 =	sadd.s32 $0x41A00, s14;
	s24 =	sadd.s32 $0xA00, s14;
	[dreg:$0xd] =	wrdreg s25  }
0x17: {  	[dreg:$0xe] =	wrdreg s1;
	s11 =	sadd.s32 $0x1A00, s14;
	s12 =	sadd.s32 $0x1200, s14  }
0x18: {  	s14 =	sadd.s32 s6, s17;
	s17 =	sadd.s32 s7, s17;
	s21 =	simm.s32 $0x80  }
0x19: {  	v0 =	vlaneseq.u32;
	s22 =	simm.s32 $0x400;
	s1 =	simm.s32 $0x1;
	[dreg:$0xb] =	wrdreg s23  }
0x1a: {  	v1 =	vmul.u32 $0x3, v0;
	s25 =	simm.s32 $0x2;
	[dreg:$0xc] =	wrdreg s24;
	s15 =	sadd.s32 $0x3A00, s0  }
0x1b: {  	s18 =	sadd.s32 $0x2200, s0;
	s0 =	sshll.u32 s26, $0xA;
	s23 =	simm.s32 $0x800  }
0x1c: {  	v2 =	vimm.s32 $0x0;
	v3 =	vadd.s32 $0x1, v1;
	v4 =	vadd.s32 $0x2, v1;
	s24 =	simm.s32 $0x4A00;
	s26 =	simm.s32 $0x0;
	s20 =	sor.u32 s31, s0  }
.LBB2_1:
0x1d: {  	s0 =	rddreg [dreg:$0x8]  }
0x1e: {  	[tilespmem:s2], [sflag:$0x1] =	stream.strided.gather [hbm4b:s0+s21], $0x800, s22, s21, $0x38;
	[tilespmem:$0x6000] =	vst v63  }
0x1f: {  	s6 =	rddreg [dreg:$0x9]  }
0x20: {  	[tilespmem:s23], [sflag:$0x1] =	stream.strided.gather [hbm4b:s6+s21], $0x1800, s22, s21, $0x38;
	[tilespmem:$0x6000] =	vst v63  }
0x21: {  	s7 =	rddreg [dreg:$0xa];
	s3 =	simm.s32 $0x4000  }
0x22: {  	[tilespmem:s3], [sflag:$0x1] =	stream.strided.gather [hbm4b:s7+s21], $0x200, s22, s21, $0x38;
	[tilespmem:$0x6000] =	vst v63  }
0x23: {  	s8 =	rddreg [dreg:$0xb];
	s9 =	simm.s32 $0x4200  }
0x24: {  	[tilespmem:s9], [sflag:$0x1] =	stream.strided.gather [hbm4b:s8+s21], $0x200, s22, s21, $0x38;
	[tilespmem:$0x6000] =	vst v63  }
0x25: {  	s4 =	simm.s32 $0x4400;
	s3 =	rddreg [dreg:$0xc]  }
0x26: {  	[tilespmem:s4], [sflag:$0x1] =	stream.strided.gather [hbm4b:s3+s21], $0x200, s22, s21, $0x38;
	[tilespmem:$0x6000] =	vst v63  }
0x27: {  	s5 =	rddreg [dreg:$0xd]  }
0x28: {  	[tilespmem:s28], [sflag:$0x1] =	stream.strided.gather [hbm4b:s5+s21], $0x800, s22, s21, $0x38;
	[tilespmem:$0x6000] =	vst v63  }
0x29: {  	s6 =	rddreg [dreg:$0xe]  }
0x2a: {  	[tilespmem:s29], [sflag:$0x1] =	stream.strided.gather [hbm4b:s6+s21], $0x1800, s22, s21, $0x38;
	[tilespmem:$0x6000] =	vst v63  }
0x2b: {  	s7 =	simm.s32 $0x5000  }
0x2c: {  	[tilespmem:s7], [sflag:$0x1] =	stream.strided.gather [hbm4b:s10+s21], $0x200, s22, s21, $0x38;
	[tilespmem:$0x6000] =	vst v63  }
0x2d: {  	s8 =	simm.s32 $0x5200  }
0x2e: {  	[tilespmem:s8], [sflag:$0x1] =	stream.strided.gather [hbm4b:s11+s21], $0x200, s22, s21, $0x38;
	[tilespmem:$0x6000] =	vst v63  }
0x2f: {  	s9 =	simm.s32 $0x5400  }
0x30: {  	[tilespmem:s9], [sflag:$0x1] =	stream.strided.gather [hbm4b:s12+s21], $0x200, s22, s21, $0x38;
	[tilespmem:$0x6000] =	vst v63  }
0x31: {  	_ =	swait.ge [sflag:s1], $0x800  }
0x32: {  	[sflag:s1] =	ssyncset.done $0x0  }
0x33: {  	[sflag:s1] =	ssyncadd.s32 $0xFFFFF800  }
0x34: {  	_ =	swait.ge [sflag:s1], $0x1800  }
0x35: {  	[sflag:s1] =	ssyncset.done $0x0  }
0x36: {  	[sflag:s1] =	ssyncadd.s32 $0xFFFFE800  }
0x37: {  	_ =	swait.ge [sflag:s1], $0x200  }
0x38: {  	[sflag:s1] =	ssyncset.done $0x0  }
0x39: {  	[sflag:s1] =	ssyncadd.s32 $0xFFFFFE00  }
0x3a: {  	_ =	swait.ge [sflag:s1], $0x200  }
0x3b: {  	[sflag:s1] =	ssyncset.done $0x0  }
0x3c: {  	[sflag:s1] =	ssyncadd.s32 $0xFFFFFE00  }
0x3d: {  	_ =	swait.ge [sflag:s1], $0x200  }
0x3e: {  	[sflag:s1] =	ssyncset.done $0x0  }
0x3f: {  	[sflag:s1] =	ssyncadd.s32 $0xFFFFFE00  }
0x40: {  	_ =	swait.ge [sflag:s1], $0x800  }
0x41: {  	[sflag:s1] =	ssyncset.done $0x0  }
0x42: {  	[sflag:s1] =	ssyncadd.s32 $0xFFFFF800  }
0x43: {  	_ =	swait.ge [sflag:s1], $0x1800  }
0x44: {  	[sflag:s1] =	ssyncset.done $0x0  }
0x45: {  	[sflag:s1] =	ssyncadd.s32 $0xFFFFE800  }
0x46: {  	_ =	swait.ge [sflag:s1], $0x200  }
0x47: {  	[sflag:s1] =	ssyncset.done $0x0  }
0x48: {  	[sflag:s1] =	ssyncadd.s32 $0xFFFFFE00  }
0x49: {  	_ =	swait.ge [sflag:s1], $0x200  }
0x4a: {  	[sflag:s1] =	ssyncset.done $0x0  }
0x4b: {  	s31 =	simm.s32 $0xFFFFFFFC;
	[sflag:s1] =	ssyncadd.s32 $0xFFFFFE00  }
0x4c: {  	s0 =	simm.s32 $0x4020;
	s3 =	simm.s32 $0x4220;
	_ =	swait.ge [sflag:s1], $0x200  }
0x4d: {  	s4 =	simm.s32 $0x4420;
	s5 =	simm.s32 $0x4620;
	[sflag:s1] =	ssyncset.done $0x0  }
0x4e: {  	s6 =	simm.s32 $0x4820;
	s7 =	simm.s32 $0x0;
	[sflag:s1] =	ssyncadd.s32 $0xFFFFFE00  }
.LBB2_2:
0x4f: {  	v5 =	vld [tilespmem:s0+$0xFFFFFFE0]  }
0x50: {  	v6 =	vld [tilespmem:s4+$0xFFFFFFE0];
	_ =	sdelay $0x1  }
0x51: {  	v7 =	vld [tilespmem:s3+$0xFFFFFFE0];
	_ =	sdelay $0x2  }
0x52: {  	v6 =	vsub.f32 $1.000000000e+00, v6;
	_ =	sdelay $0x1  }
0x53: {  	v8 =	vsub.f32 $1.000000000e+00, v7;
	vm0 =	vgt.s32 v5, $0x0;
	v6 =	vadd.f32 v6, v6;
	v9 =	vld.idx.msk [tilespmem:v5+s2+$0x0], $0xffff  }
0x54: {  	v10 =	vnsel vm0, $0x0, v5  }
0x55: {  	v8 =	vadd.f32 v8, v8;
	v10 =	vmin.u32 v10, $0x7FF;
	v6 =	vmul.f32 $9.024999730e-01, v6  }
0x56: {  	s8 =	sadd.s32 s7, s20;
	v7 =	vadd.f32 $1.000000000e+00, v7;
	v43 =	vmul.u32 $0x3, v10  }
0x57: {  	vm1 =	vle.f32 v8, $1.000000000e+00;
	vm15 =	vle.f32 v8, v6;
	v6 =	vor.u32 s8, v0  }
0x58: {  	vm0 =	vmand vm15, vm1;
	vm2 =	veq.s32 v9, v6  }
0x59: {  	v6 =	vmul.f32 $5.000000000e-01, v7;
	vm0 =	vmand vm0, vm2  }
0x5a: {  	v7 =	vmov s7;
	v5 =	vnsel vm0, $0xFFFFFFFF, v5  }
0x5b: {  	[tilespmem:s5+$0xFFFFFFE0] =	vst v5;
	v5 =	vnsel vm0, $0x0, v6;
	v6 =	vmul.u32 $0x3, v7  }
0x5c: {  	[tilespmem:s6+$0xFFFFFFE0] =	vst v5  }
0x5d: {  	v5 =	vbroadcast v6, $0x0;
	v6 =	vld.idx.msk [tilespmem:v43+s23+$0x0], $0xffff;
	_ =	sdelay $0x1  }
0x5e: {  	v7 =	vor.u32 v1, v5  }
0x5f: {  	v44 =	vadd.s32 $0x1, v43  }
0x60: {  	v45 =	vsel vm0, $0x3F800000, v2  }
0x61: {  	v6 =	vmul.f32 v45, v6;
	_ =	sdelay $0x1  }
0x62: {  	[tilespmem:v7+s24+$0x0] =	vst.idx.msk $0xffff, v6  }
0x63: {  	v6 =	vld.idx.msk [tilespmem:v44+s23+$0x0], $0xffff;
	_ =	sdelay $0x1  }
0x64: {  	v7 =	vor.u32 v3, v5  }
0x65: {  	v8 =	vadd.s32 $0x2, v43;
	_ =	sdelay $0x1  }
0x66: {  	v6 =	vmul.f32 v45, v6;
	_ =	sdelay $0x1  }
0x67: {  	[tilespmem:v7+s24+$0x0] =	vst.idx.msk $0xffff, v6  }
0x68: {  	v6 =	vld.idx.msk [tilespmem:v8+s23+$0x0], $0xffff;
	_ =	sdelay $0x1  }
0x69: {  	v5 =	vor.u32 v4, v5;
	_ =	sdelay $0x2  }
0x6a: {  	v6 =	vmul.f32 v45, v6;
	_ =	sdelay $0x1  }
0x6b: {  	[tilespmem:v5+s24+$0x0] =	vst.idx.msk $0xffff, v6  }
0x6c: {  	v5 =	vld [tilespmem:s0+$0xFFFFFFF0]  }
0x6d: {  	v6 =	vld [tilespmem:s4+$0xFFFFFFF0];
	_ =	sdelay $0x1  }
0x6e: {  	v7 =	vld [tilespmem:s3+$0xFFFFFFF0];
	_ =	sdelay $0x2  }
0x6f: {  	v6 =	vsub.f32 $1.000000000e+00, v6;
	_ =	sdelay $0x1  }
0x70: {  	v46 =	vsub.f32 $1.000000000e+00, v7;
	vm4 =	vgt.s32 v5, $0x0;
	v6 =	vadd.f32 v6, v6;
	v47 =	vld.idx.msk [tilespmem:v5+s2+$0x0], $0xffff  }
0x71: {  	v48 =	vnsel vm4, $0x0, v5  }
0x72: {  	v8 =	vadd.f32 v46, v46;
	v10 =	vmin.u32 v48, $0x7FF;
	v6 =	vmul.f32 $9.024999730e-01, v6  }
0x73: {  	s9 =	sadd.s32 $0x10, s8;
	v7 =	vadd.f32 $1.000000000e+00, v7;
	v49 =	vmul.u32 $0x3, v10  }
0x74: {  	vm6 =	vle.f32 v8, $1.000000000e+00;
	vm5 =	vle.f32 v8, v6;
	v6 =	vor.u32 s9, v0  }
0x75: {  	vm0 =	vmand vm5, vm6;
	vm7 =	veq.s32 v47, v6  }
0x76: {  	s9 =	sadd.s32 $0x10, s7;
	v6 =	vmul.f32 $5.000000000e-01, v7;
	vm0 =	vmand vm0, vm7  }
0x77: {  	v7 =	vmov s9;
	v5 =	vnsel vm0, $0xFFFFFFFF, v5  }
0x78: {  	[tilespmem:s5+$0xFFFFFFF0] =	vst v5;
	v5 =	vnsel vm0, $0x0, v6;
	v6 =	vmul.u32 $0x3, v7  }
0x79: {  	[tilespmem:s6+$0xFFFFFFF0] =	vst v5  }
0x7a: {  	v5 =	vbroadcast v6, $0x0;
	v6 =	vld.idx.msk [tilespmem:v49+s23+$0x0], $0xffff;
	_ =	sdelay $0x1  }
0x7b: {  	v7 =	vadd.s32 v1, v5  }
0x7c: {  	v50 =	vadd.s32 $0x1, v49  }
0x7d: {  	v51 =	vsel vm0, $0x3F800000, v2  }
0x7e: {  	v6 =	vmul.f32 v51, v6;
	_ =	sdelay $0x1  }
0x7f: {  	[tilespmem:v7+s24+$0x0] =	vst.idx.msk $0xffff, v6  }
0x80: {  	v6 =	vld.idx.msk [tilespmem:v50+s23+$0x0], $0xffff;
	_ =	sdelay $0x1  }
0x81: {  	v7 =	vadd.s32 v3, v5  }
0x82: {  	v8 =	vadd.s32 $0x2, v49;
	_ =	sdelay $0x1  }
0x83: {  	v6 =	vmul.f32 v51, v6;
	_ =	sdelay $0x1  }
0x84: {  	[tilespmem:v7+s24+$0x0] =	vst.idx.msk $0xffff, v6  }
0x85: {  	v6 =	vld.idx.msk [tilespmem:v8+s23+$0x0], $0xffff;
	_ =	sdelay $0x1  }
0x86: {  	v5 =	vadd.s32 v4, v5;
	_ =	sdelay $0x2  }
0x87: {  	v6 =	vmul.f32 v51, v6;
	_ =	sdelay $0x1  }
0x88: {  	[tilespmem:v5+s24+$0x0] =	vst.idx.msk $0xffff, v6  }
0x89: {  	v5 =	vld [tilespmem:s0+$0x0]  }
0x8a: {  	v6 =	vld [tilespmem:s4+$0x0];
	_ =	sdelay $0x1  }
0x8b: {  	v7 =	vld [tilespmem:s3+$0x0];
	_ =	sdelay $0x2  }
0x8c: {  	v6 =	vsub.f32 $1.000000000e+00, v6;
	_ =	sdelay $0x1  }
0x8d: {  	v52 =	vsub.f32 $1.000000000e+00, v7;
	vm8 =	vgt.s32 v5, $0x0;
	v6 =	vadd.f32 v6, v6;
	v53 =	vld.idx.msk [tilespmem:v5+s2+$0x0], $0xffff  }
0x8e: {  	v54 =	vnsel vm8, $0x0, v5  }
0x8f: {  	v8 =	vadd.f32 v52, v52;
	v10 =	vmin.u32 v54, $0x7FF;
	v6 =	vmul.f32 $9.024999730e-01, v6  }
0x90: {  	s9 =	sadd.s32 $0x20, s8;
	v7 =	vadd.f32 $1.000000000e+00, v7;
	v55 =	vmul.u32 $0x3, v10  }
0x91: {  	vm10 =	vle.f32 v8, $1.000000000e+00;
	vm9 =	vle.f32 v8, v6;
	v6 =	vor.u32 s9, v0  }
0x92: {  	vm0 =	vmand vm9, vm10;
	vm11 =	veq.s32 v53, v6  }
0x93: {  	s9 =	sadd.s32 $0x20, s7;
	v6 =	vmul.f32 $5.000000000e-01, v7;
	vm0 =	vmand vm0, vm11  }
0x94: {  	v7 =	vmov s9;
	v5 =	vnsel vm0, $0xFFFFFFFF, v5  }
0x95: {  	[tilespmem:s5+$0x0] =	vst v5;
	v5 =	vnsel vm0, $0x0, v6;
	v6 =	vmul.u32 $0x3, v7  }
0x96: {  	[tilespmem:s6+$0x0] =	vst v5  }
0x97: {  	v5 =	vbroadcast v6, $0x0;
	v6 =	vld.idx.msk [tilespmem:v55+s23+$0x0], $0xffff;
	_ =	sdelay $0x1  }
0x98: {  	v7 =	vadd.s32 v1, v5  }
0x99: {  	v56 =	vadd.s32 $0x1, v55  }
0x9a: {  	v57 =	vsel vm0, $0x3F800000, v2  }
0x9b: {  	v6 =	vmul.f32 v57, v6;
	_ =	sdelay $0x1  }
0x9c: {  	[tilespmem:v7+s24+$0x0] =	vst.idx.msk $0xffff, v6  }
0x9d: {  	v6 =	vld.idx.msk [tilespmem:v56+s23+$0x0], $0xffff;
	_ =	sdelay $0x1  }
0x9e: {  	v7 =	vadd.s32 v3, v5  }
0x9f: {  	v8 =	vadd.s32 $0x2, v55;
	_ =	sdelay $0x1  }
0xa0: {  	v6 =	vmul.f32 v57, v6;
	_ =	sdelay $0x1  }
0xa1: {  	[tilespmem:v7+s24+$0x0] =	vst.idx.msk $0xffff, v6  }
0xa2: {  	v6 =	vld.idx.msk [tilespmem:v8+s23+$0x0], $0xffff;
	_ =	sdelay $0x1  }
0xa3: {  	v5 =	vadd.s32 v4, v5;
	_ =	sdelay $0x2  }
0xa4: {  	v6 =	vmul.f32 v57, v6;
	_ =	sdelay $0x1  }
0xa5: {  	[tilespmem:v5+s24+$0x0] =	vst.idx.msk $0xffff, v6  }
0xa6: {  	v5 =	vld [tilespmem:s0+$0x10]  }
0xa7: {  	v6 =	vld [tilespmem:s4+$0x10];
	_ =	sdelay $0x1  }
0xa8: {  	v7 =	vld [tilespmem:s3+$0x10];
	_ =	sdelay $0x2  }
0xa9: {  	v6 =	vsub.f32 $1.000000000e+00, v6;
	_ =	sdelay $0x1  }
0xaa: {  	v58 =	vsub.f32 $1.000000000e+00, v7;
	vm12 =	vgt.s32 v5, $0x0;
	v6 =	vadd.f32 v6, v6;
	v59 =	vld.idx.msk [tilespmem:v5+s2+$0x0], $0xffff  }
0xab: {  	v60 =	vnsel vm12, $0x0, v5  }
0xac: {  	v8 =	vadd.f32 v58, v58;
	v10 =	vmin.u32 v60, $0x7FF;
	v6 =	vmul.f32 $9.024999730e-01, v6  }
0xad: {  	s8 =	sadd.s32 $0x30, s8;
	v7 =	vadd.f32 $1.000000000e+00, v7;
	v61 =	vmul.u32 $0x3, v10  }
0xae: {  	vm14 =	vle.f32 v8, $1.000000000e+00;
	vm13 =	vle.f32 v8, v6;
	v6 =	vor.u32 s8, v0  }
0xaf: {  	vm0 =	vmand vm13, vm14;
	vm15 =	veq.s32 v59, v6  }
0xb0: {  	s9 =	sadd.s32 $0x30, s7;
	v6 =	vmul.f32 $5.000000000e-01, v7;
	vm0 =	vmand vm0, vm15  }
0xb1: {  	v7 =	vmov s9;
	v5 =	vnsel vm0, $0xFFFFFFFF, v5  }
0xb2: {  	[tilespmem:s5+$0x10] =	vst v5;
	v5 =	vnsel vm0, $0x0, v6;
	v6 =	vmul.u32 $0x3, v7  }
0xb3: {  	[tilespmem:s6+$0x10] =	vst v5  }
0xb4: {  	v5 =	vbroadcast v6, $0x0;
	v6 =	vld.idx.msk [tilespmem:v61+s23+$0x0], $0xffff;
	_ =	sdelay $0x1  }
0xb5: {  	v7 =	vadd.s32 v1, v5  }
0xb6: {  	v62 =	vadd.s32 $0x1, v61  }
0xb7: {  	v63 =	vsel vm0, $0x3F800000, v2  }
0xb8: {  	v6 =	vmul.f32 v63, v6;
	_ =	sdelay $0x1  }
0xb9: {  	[tilespmem:v7+s24+$0x0] =	vst.idx.msk $0xffff, v6  }
0xba: {  	v6 =	vld.idx.msk [tilespmem:v62+s23+$0x0], $0xffff;
	_ =	sdelay $0x1  }
0xbb: {  	v7 =	vadd.s32 v3, v5  }
0xbc: {  	v8 =	vadd.s32 $0x2, v61;
	_ =	sdelay $0x1  }
0xbd: {  	v6 =	vmul.f32 v63, v6;
	_ =	sdelay $0x1  }
0xbe: {  	[tilespmem:v7+s24+$0x0] =	vst.idx.msk $0xffff, v6  }
0xbf: {  	v6 =	vld.idx.msk [tilespmem:v8+s23+$0x0], $0xffff  }
0xc0: {  	s31 =	sadd.s32 $0x4, s31  }
0xc1: {  	p0 =	slt.u32 s31, $0x1C;
	v5 =	vadd.s32 v4, v5  }
.Ltmp0:
0xc2: {  	_ = 	snop;
	(pc) =	sbr.rel @p0 .LBB2_2-.Ltmp0, $4  }
0xc3: {  	_ = 	snop  }
0xc4: {  	v6 =	vmul.f32 v63, v6  }
0xc5: {  	s7 =	sadd.s32 $0x40, s7;
	s0 =	sadd.s32 $0x40, s0;
	s3 =	sadd.s32 $0x40, s3  }
0xc6: {  	s4 =	sadd.s32 $0x40, s4;
	s5 =	sadd.s32 $0x40, s5;
	s6 =	sadd.s32 $0x40, s6;
	[tilespmem:v5+s24+$0x0] =	vst.idx.msk $0xffff, v6  }
0xc7: {  	s0 =	simm.s32 $0x4600;
	s9 =	simm.s32 $0x4800;
	s31 =	simm.s32 $0xFFFFFFFC  }
0xc8: {  	[hbm4b:s13+s21] =	stream.strided.scatter [tilespmem:s0], [sflag:$0x2], $0x200, s22, s21, $0x38;
	[tilespmem:$0x6000] =	vst v63  }
0xc9: {  	s3 =	simm.s32 $0x5020;
	s4 =	simm.s32 $0x5220;
	s5 =	simm.s32 $0x5420  }
0xca: {  	[hbm4b:s14+s21] =	stream.strided.scatter [tilespmem:s9], [sflag:$0x2], $0x200, s22, s21, $0x38;
	[tilespmem:$0x6000] =	vst v63  }
0xcb: {  	s6 =	simm.s32 $0x5620;
	s7 =	simm.s32 $0x5820;
	s0 =	simm.s32 $0x0  }
0xcc: {  	[hbm4b:s15+s21] =	stream.strided.scatter [tilespmem:s24], [sflag:$0x2], $0x600, s22, s21, $0x38;
	[tilespmem:$0x6000] =	vst v63  }
.LBB2_4:
0xcd: {  	v5 =	vld [tilespmem:s3+$0xFFFFFFE0]  }
0xce: {  	v6 =	vld [tilespmem:s5+$0xFFFFFFE0];
	_ =	sdelay $0x1  }
0xcf: {  	v7 =	vld [tilespmem:s4+$0xFFFFFFE0];
	_ =	sdelay $0x2  }
0xd0: {  	v6 =	vsub.f32 $1.000000000e+00, v6;
	_ =	sdelay $0x1  }
0xd1: {  	v8 =	vsub.f32 $1.000000000e+00, v7;
	vm0 =	vgt.s32 v5, $0x0;
	v6 =	vadd.f32 v6, v6;
	v9 =	vld.idx.msk [tilespmem:v5+s28+$0x0], $0xffff  }
0xd2: {  	v10 =	vnsel vm0, $0x0, v5  }
0xd3: {  	v8 =	vadd.f32 v8, v8;
	v10 =	vmin.u32 v10, $0x7FF;
	v6 =	vmul.f32 $9.024999730e-01, v6  }
0xd4: {  	s8 =	sadd.s32 s0, s20;
	v7 =	vadd.f32 $1.000000000e+00, v7;
	v43 =	vmul.u32 $0x3, v10  }
0xd5: {  	vm1 =	vle.f32 v8, $1.000000000e+00;
	vm15 =	vle.f32 v8, v6;
	v6 =	vor.u32 s8, v0  }
0xd6: {  	vm0 =	vmand vm15, vm1;
	vm2 =	veq.s32 v9, v6  }
0xd7: {  	v6 =	vmul.f32 $5.000000000e-01, v7;
	vm0 =	vmand vm0, vm2  }
0xd8: {  	v7 =	vmov s0;
	v5 =	vnsel vm0, $0xFFFFFFFF, v5  }
0xd9: {  	[tilespmem:s6+$0xFFFFFFE0] =	vst v5;
	v5 =	vnsel vm0, $0x0, v6;
	v6 =	vmul.u32 $0x3, v7  }
0xda: {  	[tilespmem:s7+$0xFFFFFFE0] =	vst v5  }
0xdb: {  	v5 =	vbroadcast v6, $0x0;
	v6 =	vld.idx.msk [tilespmem:v43+s29+$0x0], $0xffff;
	_ =	sdelay $0x1  }
0xdc: {  	v7 =	vor.u32 v1, v5  }
0xdd: {  	v44 =	vadd.s32 $0x1, v43  }
0xde: {  	v45 =	vsel vm0, $0x3F800000, v2  }
0xdf: {  	v6 =	vmul.f32 v45, v6;
	_ =	sdelay $0x1  }
0xe0: {  	[tilespmem:v7+s30+$0x0] =	vst.idx.msk $0xffff, v6  }
0xe1: {  	v6 =	vld.idx.msk [tilespmem:v44+s29+$0x0], $0xffff;
	_ =	sdelay $0x1  }
0xe2: {  	v7 =	vor.u32 v3, v5  }
0xe3: {  	v8 =	vadd.s32 $0x2, v43;
	_ =	sdelay $0x1  }
0xe4: {  	v6 =	vmul.f32 v45, v6;
	_ =	sdelay $0x1  }
0xe5: {  	[tilespmem:v7+s30+$0x0] =	vst.idx.msk $0xffff, v6  }
0xe6: {  	v6 =	vld.idx.msk [tilespmem:v8+s29+$0x0], $0xffff;
	_ =	sdelay $0x1  }
0xe7: {  	v5 =	vor.u32 v4, v5;
	_ =	sdelay $0x2  }
0xe8: {  	v6 =	vmul.f32 v45, v6;
	_ =	sdelay $0x1  }
0xe9: {  	[tilespmem:v5+s30+$0x0] =	vst.idx.msk $0xffff, v6  }
0xea: {  	v5 =	vld [tilespmem:s3+$0xFFFFFFF0]  }
0xeb: {  	v6 =	vld [tilespmem:s5+$0xFFFFFFF0];
	_ =	sdelay $0x1  }
0xec: {  	v7 =	vld [tilespmem:s4+$0xFFFFFFF0];
	_ =	sdelay $0x2  }
0xed: {  	v6 =	vsub.f32 $1.000000000e+00, v6;
	_ =	sdelay $0x1  }
0xee: {  	v46 =	vsub.f32 $1.000000000e+00, v7;
	vm4 =	vgt.s32 v5, $0x0;
	v6 =	vadd.f32 v6, v6;
	v47 =	vld.idx.msk [tilespmem:v5+s28+$0x0], $0xffff  }
0xef: {  	v48 =	vnsel vm4, $0x0, v5  }
0xf0: {  	v8 =	vadd.f32 v46, v46;
	v10 =	vmin.u32 v48, $0x7FF;
	v6 =	vmul.f32 $9.024999730e-01, v6  }
0xf1: {  	s9 =	sadd.s32 $0x10, s8;
	v7 =	vadd.f32 $1.000000000e+00, v7;
	v49 =	vmul.u32 $0x3, v10  }
0xf2: {  	vm6 =	vle.f32 v8, $1.000000000e+00;
	vm5 =	vle.f32 v8, v6;
	v6 =	vor.u32 s9, v0  }
0xf3: {  	vm0 =	vmand vm5, vm6;
	vm7 =	veq.s32 v47, v6  }
0xf4: {  	s9 =	sadd.s32 $0x10, s0;
	v6 =	vmul.f32 $5.000000000e-01, v7;
	vm0 =	vmand vm0, vm7  }
0xf5: {  	v7 =	vmov s9;
	v5 =	vnsel vm0, $0xFFFFFFFF, v5  }
0xf6: {  	[tilespmem:s6+$0xFFFFFFF0] =	vst v5;
	v5 =	vnsel vm0, $0x0, v6;
	v6 =	vmul.u32 $0x3, v7  }
0xf7: {  	[tilespmem:s7+$0xFFFFFFF0] =	vst v5  }
0xf8: {  	v5 =	vbroadcast v6, $0x0;
	v6 =	vld.idx.msk [tilespmem:v49+s29+$0x0], $0xffff;
	_ =	sdelay $0x1  }
0xf9: {  	v7 =	vadd.s32 v1, v5  }
0xfa: {  	v50 =	vadd.s32 $0x1, v49  }
0xfb: {  	v51 =	vsel vm0, $0x3F800000, v2  }
0xfc: {  	v6 =	vmul.f32 v51, v6;
	_ =	sdelay $0x1  }
0xfd: {  	[tilespmem:v7+s30+$0x0] =	vst.idx.msk $0xffff, v6  }
0xfe: {  	v6 =	vld.idx.msk [tilespmem:v50+s29+$0x0], $0xffff;
	_ =	sdelay $0x1  }
0xff: {  	v7 =	vadd.s32 v3, v5  }
0x100: {  	v8 =	vadd.s32 $0x2, v49;
	_ =	sdelay $0x1  }
0x101: {  	v6 =	vmul.f32 v51, v6;
	_ =	sdelay $0x1  }
0x102: {  	[tilespmem:v7+s30+$0x0] =	vst.idx.msk $0xffff, v6  }
0x103: {  	v6 =	vld.idx.msk [tilespmem:v8+s29+$0x0], $0xffff;
	_ =	sdelay $0x1  }
0x104: {  	v5 =	vadd.s32 v4, v5;
	_ =	sdelay $0x2  }
0x105: {  	v6 =	vmul.f32 v51, v6;
	_ =	sdelay $0x1  }
0x106: {  	[tilespmem:v5+s30+$0x0] =	vst.idx.msk $0xffff, v6  }
0x107: {  	v5 =	vld [tilespmem:s3+$0x0]  }
0x108: {  	v6 =	vld [tilespmem:s5+$0x0];
	_ =	sdelay $0x1  }
0x109: {  	v7 =	vld [tilespmem:s4+$0x0];
	_ =	sdelay $0x2  }
0x10a: {  	v6 =	vsub.f32 $1.000000000e+00, v6;
	_ =	sdelay $0x1  }
0x10b: {  	v52 =	vsub.f32 $1.000000000e+00, v7;
	vm8 =	vgt.s32 v5, $0x0;
	v6 =	vadd.f32 v6, v6;
	v53 =	vld.idx.msk [tilespmem:v5+s28+$0x0], $0xffff  }
0x10c: {  	v54 =	vnsel vm8, $0x0, v5  }
0x10d: {  	v8 =	vadd.f32 v52, v52;
	v10 =	vmin.u32 v54, $0x7FF;
	v6 =	vmul.f32 $9.024999730e-01, v6  }
0x10e: {  	s9 =	sadd.s32 $0x20, s8;
	v7 =	vadd.f32 $1.000000000e+00, v7;
	v55 =	vmul.u32 $0x3, v10  }
0x10f: {  	vm10 =	vle.f32 v8, $1.000000000e+00;
	vm9 =	vle.f32 v8, v6;
	v6 =	vor.u32 s9, v0  }
0x110: {  	vm0 =	vmand vm9, vm10;
	vm11 =	veq.s32 v53, v6  }
0x111: {  	s9 =	sadd.s32 $0x20, s0;
	v6 =	vmul.f32 $5.000000000e-01, v7;
	vm0 =	vmand vm0, vm11  }
0x112: {  	v7 =	vmov s9;
	v5 =	vnsel vm0, $0xFFFFFFFF, v5  }
0x113: {  	[tilespmem:s6+$0x0] =	vst v5;
	v5 =	vnsel vm0, $0x0, v6;
	v6 =	vmul.u32 $0x3, v7  }
0x114: {  	[tilespmem:s7+$0x0] =	vst v5  }
0x115: {  	v5 =	vbroadcast v6, $0x0;
	v6 =	vld.idx.msk [tilespmem:v55+s29+$0x0], $0xffff;
	_ =	sdelay $0x1  }
0x116: {  	v7 =	vadd.s32 v1, v5  }
0x117: {  	v56 =	vadd.s32 $0x1, v55  }
0x118: {  	v57 =	vsel vm0, $0x3F800000, v2  }
0x119: {  	v6 =	vmul.f32 v57, v6;
	_ =	sdelay $0x1  }
0x11a: {  	[tilespmem:v7+s30+$0x0] =	vst.idx.msk $0xffff, v6  }
0x11b: {  	v6 =	vld.idx.msk [tilespmem:v56+s29+$0x0], $0xffff;
	_ =	sdelay $0x1  }
0x11c: {  	v7 =	vadd.s32 v3, v5  }
0x11d: {  	v8 =	vadd.s32 $0x2, v55;
	_ =	sdelay $0x1  }
0x11e: {  	v6 =	vmul.f32 v57, v6;
	_ =	sdelay $0x1  }
0x11f: {  	[tilespmem:v7+s30+$0x0] =	vst.idx.msk $0xffff, v6  }
0x120: {  	v6 =	vld.idx.msk [tilespmem:v8+s29+$0x0], $0xffff;
	_ =	sdelay $0x1  }
0x121: {  	v5 =	vadd.s32 v4, v5;
	_ =	sdelay $0x2  }
0x122: {  	v6 =	vmul.f32 v57, v6;
	_ =	sdelay $0x1  }
0x123: {  	[tilespmem:v5+s30+$0x0] =	vst.idx.msk $0xffff, v6  }
0x124: {  	v5 =	vld [tilespmem:s3+$0x10]  }
0x125: {  	v6 =	vld [tilespmem:s5+$0x10];
	_ =	sdelay $0x1  }
0x126: {  	v7 =	vld [tilespmem:s4+$0x10];
	_ =	sdelay $0x2  }
0x127: {  	v6 =	vsub.f32 $1.000000000e+00, v6;
	_ =	sdelay $0x1  }
0x128: {  	v58 =	vsub.f32 $1.000000000e+00, v7;
	vm12 =	vgt.s32 v5, $0x0;
	v6 =	vadd.f32 v6, v6;
	v59 =	vld.idx.msk [tilespmem:v5+s28+$0x0], $0xffff  }
0x129: {  	v60 =	vnsel vm12, $0x0, v5  }
0x12a: {  	v8 =	vadd.f32 v58, v58;
	v10 =	vmin.u32 v60, $0x7FF;
	v6 =	vmul.f32 $9.024999730e-01, v6  }
0x12b: {  	s8 =	sadd.s32 $0x30, s8;
	v7 =	vadd.f32 $1.000000000e+00, v7;
	v61 =	vmul.u32 $0x3, v10  }
0x12c: {  	vm14 =	vle.f32 v8, $1.000000000e+00;
	vm13 =	vle.f32 v8, v6;
	v6 =	vor.u32 s8, v0  }
0x12d: {  	vm0 =	vmand vm13, vm14;
	vm15 =	veq.s32 v59, v6  }
0x12e: {  	s9 =	sadd.s32 $0x30, s0;
	v6 =	vmul.f32 $5.000000000e-01, v7;
	vm0 =	vmand vm0, vm15  }
0x12f: {  	v7 =	vmov s9;
	v5 =	vnsel vm0, $0xFFFFFFFF, v5  }
0x130: {  	[tilespmem:s6+$0x10] =	vst v5;
	v5 =	vnsel vm0, $0x0, v6;
	v6 =	vmul.u32 $0x3, v7  }
0x131: {  	[tilespmem:s7+$0x10] =	vst v5  }
0x132: {  	v5 =	vbroadcast v6, $0x0;
	v6 =	vld.idx.msk [tilespmem:v61+s29+$0x0], $0xffff;
	_ =	sdelay $0x1  }
0x133: {  	v7 =	vadd.s32 v1, v5  }
0x134: {  	v62 =	vadd.s32 $0x1, v61  }
0x135: {  	v63 =	vsel vm0, $0x3F800000, v2  }
0x136: {  	v6 =	vmul.f32 v63, v6;
	_ =	sdelay $0x1  }
0x137: {  	[tilespmem:v7+s30+$0x0] =	vst.idx.msk $0xffff, v6  }
0x138: {  	v6 =	vld.idx.msk [tilespmem:v62+s29+$0x0], $0xffff;
	_ =	sdelay $0x1  }
0x139: {  	v7 =	vadd.s32 v3, v5  }
0x13a: {  	v8 =	vadd.s32 $0x2, v61;
	_ =	sdelay $0x1  }
0x13b: {  	v6 =	vmul.f32 v63, v6;
	_ =	sdelay $0x1  }
0x13c: {  	[tilespmem:v7+s30+$0x0] =	vst.idx.msk $0xffff, v6  }
0x13d: {  	v6 =	vld.idx.msk [tilespmem:v8+s29+$0x0], $0xffff  }
0x13e: {  	s31 =	sadd.s32 $0x4, s31  }
0x13f: {  	p0 =	slt.u32 s31, $0x1C;
	v5 =	vadd.s32 v4, v5  }
.Ltmp1:
0x140: {  	_ = 	snop;
	(pc) =	sbr.rel @p0 .LBB2_4-.Ltmp1, $4  }
0x141: {  	_ = 	snop  }
0x142: {  	v6 =	vmul.f32 v63, v6  }
0x143: {  	s0 =	sadd.s32 $0x40, s0;
	s3 =	sadd.s32 $0x40, s3;
	s4 =	sadd.s32 $0x40, s4  }
0x144: {  	s5 =	sadd.s32 $0x40, s5;
	s6 =	sadd.s32 $0x40, s6;
	s7 =	sadd.s32 $0x40, s7;
	[tilespmem:v5+s30+$0x0] =	vst.idx.msk $0xffff, v6  }
0x145: {  	s0 =	simm.s32 $0x5600  }
0x146: {  	[hbm4b:s16+s21] =	stream.strided.scatter [tilespmem:s0], [sflag:$0x2], $0x200, s22, s21, $0x38;
	[tilespmem:$0x6000] =	vst v63  }
0x147: {  	s31 =	simm.s32 $0x5800  }
0x148: {  	[hbm4b:s17+s21] =	stream.strided.scatter [tilespmem:s31], [sflag:$0x2], $0x200, s22, s21, $0x38;
	[tilespmem:$0x6000] =	vst v63  }
0x149: {  	_ = 	snop  }
0x14a: {  	[hbm4b:s18+s21] =	stream.strided.scatter [tilespmem:s30], [sflag:$0x2], $0x600, s22, s21, $0x38;
	[tilespmem:$0x6000] =	vst v63  }
0x14b: {  	_ =	swait.ge [sflag:s25], $0x200  }
0x14c: {  	[sflag:s25] =	ssyncset.done $0x0  }
0x14d: {  	[sflag:s25] =	ssyncadd.s32 $0xFFFFFE00  }
0x14e: {  	_ =	swait.ge [sflag:s25], $0x200  }
0x14f: {  	[sflag:s25] =	ssyncset.done $0x0  }
0x150: {  	[sflag:s25] =	ssyncadd.s32 $0xFFFFFE00  }
0x151: {  	_ =	swait.ge [sflag:s25], $0x600  }
0x152: {  	[sflag:s25] =	ssyncset.done $0x0  }
0x153: {  	[sflag:s25] =	ssyncadd.s32 $0xFFFFFA00  }
0x154: {  	_ =	swait.ge [sflag:s25], $0x200  }
0x155: {  	[sflag:s25] =	ssyncset.done $0x0  }
0x156: {  	s26 =	sadd.s32 $0x1, s26;
	[sflag:s25] =	ssyncadd.s32 $0xFFFFFE00  }
0x157: {  	p0 =	sne.s32 s26, s19;
	_ =	swait.ge [sflag:s25], $0x200  }
.Ltmp2:
0x158: {  	[sflag:s25] =	ssyncset.done $0x0;
	(pc) =	sbr.rel @p0 .LBB2_1-.Ltmp2, $4  }
0x159: {  	[sflag:s25] =	ssyncadd.s32 $0xFFFFFE00  }
0x15a: {  	_ =	swait.ge [sflag:s25], $0x600  }
0x15b: {  	[sflag:s25] =	ssyncset.done $0x0  }
0x15c: {  	[sflag:s25] =	ssyncadd.s32 $0xFFFFFA00  }
0x15d: {  	_ =	sfence.sel $0x180000  }
0x15e: {  	[bflag:$0x0] =	sbarrier.arrive $0xFFFF  }
0x15f: {  	_ =	strace $0x90000047  }
0x160: {  	s0 =	stileid.u32;
	[bflag:$0x2] =	sbarrier.arrive $0xFFFF  }
0x161: {  	p0 =	sne.s32 s0, $0x0;
	s0 =	rddreg [dreg:$0x7]  }
0x162: {  	s0 =	sadd.s32 @!p0 $0x100000, s0  }
0x163: {  	[sflag:s0] =	ssyncadd.tile.s32 @!p0 $0x1;
	_ =	shalt  }
.Lfunc_end2:
_tile_overlayer_lowered:
.L_overlay_start_2:
0x164: {  	(tag) =	ssettag $0x2  }
0x165: {  	s0 =	rddreg [dreg:$0x0];
	s2 =	stileid.u32  }
0x166: {  	s1 =	rddreg [dreg:$0x1];
	p0 =	sne.s32 s2, $0x0  }
0x167: {  	s3 =	rddreg [dreg:$0x2];
	[bflag:$0x3] =	sbarrier.arrive $0xFFFF;
	s2 =	simm.s32 @!p0 $0x1C03  }
0x168: {  	[timem:s3], [sflag:s2] =	dma.local @!p0 [hbm:s0], s1  }
0x169: {  	s0 =	simm.s32 @!p0 $0x3  }
0x16a: {  	_ =	swait.ge @!p0 [sflag:s0], s1  }
0x16b: {  	s1 =	ssub.s32 @!p0 $0x0, s1;
	[sflag:s0] =	ssyncset.done @!p0 $0x0  }
0x16c: {  	[sflag:s0] =	ssyncadd.s32 @!p0 s1  }
0x16d: {  	[bflag:$0x3] =	sbarrier.arrive $0xFFFF  }
0x16e: {  	_ =	shalt  }

</sc_bundles>
